<compile_context>
chip_gen: v7x
topology: tpu7x:2x2x1
jax: 0.10.2.dev20260603
libtpu: 0.0.44.dev20260713+nightly
codegen_flags: <defaults>
</compile_context>

<pallas_src>
import functools

import jax
import jax.numpy as jnp
from jax import lax
from jax.experimental import pallas as pl
from jax.experimental.pallas import tpu as pltpu
from jax.experimental.pallas import tpu_sc as plsc

B = 8
NPG = 1250
NP = 1280
EPG = 40000
CH = 2000
COLS = 80
TI = 1280
F32 = jnp.float32



EPS = 2496
ECH = 624
SROWS = 640
CTR = NP * NP // 16


def _adj_body(src_hbm, dst_hbm, ct_hbm,
              ct_sh, zbuf, stage, srcb, dstb, sbx, dbx, rowidx, rowidx_x):
  c = lax.axis_index("c")
  s = lax.axis_index("s")
  z16f = jnp.zeros((16,), F32)
  z16i = jnp.zeros((16,), jnp.int32)
  ones16 = jnp.ones((16,), F32)
  i16 = lax.iota(jnp.int32, 16)

  def bc16(v):
    return lax.broadcast_in_dim(jnp.asarray(v, jnp.int32), (16,), ())

  np16 = bc16(NP)
  four16 = bc16(4)
  fifteen16 = bc16(15)

  def zzb(j, cr):
    zbuf[j, :] = z16f
    return cr
  lax.fori_loop(0, 400, zzb, 0)

  def zst(j, cr):
    stage[j, :] = z16f
    return cr
  lax.fori_loop(0, SROWS, zst, 0)

  def zri(j, cr):
    rowidx[pl.ds(j * 16, 16)] = z16i
    return cr
  lax.fori_loop(0, SROWS // 16, zri, 0)

  def one_hot_group(base, sv, dv, nbase16, ridx, roff):
    ls = sv - nbase16
    ld = dv - nbase16
    flat = ld * np16 + ls
    row = lax.shift_right_logical(flat, four16)
    lane = flat & fifteen16
    for e in range(16):
      stage[base + e, :] = z16f
    plsc.store_scatter(stage, [bc16(base) + i16, lane], ones16)
    ridx[pl.ds(roff, 16)] = row

  def graph_body(gi, cr):
    g = c * 4 + gi
    nbase16 = bc16(g * NPG)
    ebase = g * EPG

    def zsh(j, cr2):
      pltpu.sync_copy(zbuf, ct_sh.at[pl.ds(s * 6400 + j * 400, 400), :])
      return cr2
    lax.fori_loop(0, 16, zsh, 0)
    plsc.subcore_barrier()

    eoff = ebase + s * EPS
    pltpu.sync_copy(src_hbm.at[pl.ds(eoff, EPS)], srcb)
    pltpu.sync_copy(dst_hbm.at[pl.ds(eoff, EPS)], dstb)

    def chunk(ci, cr2):
      def step(i, cr3):
        sv = srcb[pl.ds(ci * ECH + i * 16, 16)]
        dv = dstb[pl.ds(ci * ECH + i * 16, 16)]
        one_hot_group(i * 16, sv, dv, nbase16, rowidx, i * 16)
        return cr3
      lax.fori_loop(0, ECH // 16, step, 0)
      pltpu.sync_copy(stage, ct_sh.at[rowidx], add=True)
      return cr2
    lax.fori_loop(0, EPS // ECH, chunk, 0)

    @pl.when(s < 4)
    def _():
      xoff = ebase + 16 * EPS + s * 16
      pltpu.sync_copy(src_hbm.at[pl.ds(xoff, 16)], sbx)
      pltpu.sync_copy(dst_hbm.at[pl.ds(xoff, 16)], dbx)
      one_hot_group(0, sbx[...], dbx[...], nbase16, rowidx_x, 0)
      pltpu.sync_copy(stage.at[pl.ds(0, 16), :], ct_sh.at[rowidx_x], add=True)

    plsc.subcore_barrier()

    pltpu.sync_copy(ct_sh.at[pl.ds(s * 6400, 6400), :],
                    ct_hbm.at[g, pl.ds(s * 6400, 6400), :])
    plsc.subcore_barrier()
    return cr
  lax.fori_loop(0, 4, graph_body, 0)


_adj_call = functools.partial(
    pl.kernel,
    out_type=jax.ShapeDtypeStruct((B, CTR, 16), F32),
    mesh=plsc.VectorSubcoreMesh(core_axis_name="c", subcore_axis_name="s"),
    compiler_params=pltpu.CompilerParams(use_tc_tiling_on_sc=False,
                                         needs_layout_passes=False),
    scratch_types=[
        pltpu.VMEM_SHARED((CTR, 16), F32),
        pltpu.VMEM((400, 16), F32),
        pltpu.VMEM((SROWS, 16), F32),
        pltpu.VMEM((EPS,), jnp.int32),
        pltpu.VMEM((EPS,), jnp.int32),
        pltpu.VMEM((16,), jnp.int32),
        pltpu.VMEM((16,), jnp.int32),
        pltpu.VMEM((SROWS,), jnp.int32),
        pltpu.VMEM((16,), jnp.int32),
    ],
)(_adj_body)



def _deg_body(ct_ref, o_ref, ctb_ref):
  ct = ct_ref[0]
  o_ref[0] = jnp.sum(ct, axis=1, keepdims=True)
  ctb_ref[0] = ct.astype(jnp.bfloat16)


def _deg(ct):
  return pl.pallas_call(
      _deg_body,
      grid=(B, NP // TI),
      in_specs=[pl.BlockSpec((1, TI, NP), lambda b, i: (b, i, 0))],
      out_specs=[
          pl.BlockSpec((1, TI, 1), lambda b, i: (b, i, 0)),
          pl.BlockSpec((1, TI, NP), lambda b, i: (b, i, 0)),
      ],
      out_shape=[
          jax.ShapeDtypeStruct((B, NP, 1), F32),
          jax.ShapeDtypeStruct((B, NP, NP), jnp.bfloat16),
      ],
  )(ct)



def _prep_body(in_ref, w_ref, k_ref, dinv_ref, out_ref):
  u = jnp.dot(in_ref[0], w_ref[...], preferred_element_type=F32)
  u = u + k_ref[0][None, :]
  out_ref[0] = dinv_ref[0] * u


def _prep(inp, w, k, dinv):
  fin, fout = w.shape
  return pl.pallas_call(
      _prep_body,
      grid=(B, NP // TI),
      in_specs=[
          pl.BlockSpec((1, TI, fin), lambda b, i: (b, i, 0)),
          pl.BlockSpec((fin, fout), lambda b, i: (0, 0)),
          pl.BlockSpec((1, fout), lambda b, i: (0, 0)),
          pl.BlockSpec((1, TI, 1), lambda b, i: (b, i, 0)),
      ],
      out_specs=pl.BlockSpec((1, TI, fout), lambda b, i: (b, i, 0)),
      out_shape=jax.ShapeDtypeStruct((B, NP, fout), F32),
  )(inp, w, k, dinv)



def _conv_body(ct_ref, uf_ref, ur_ref, dinv_ref, bias_ref, z_ref, st_ref):
  b = pl.program_id(0)
  i = pl.program_id(1)
  acc = jnp.dot(ct_ref[0].astype(F32), uf_ref[0], preferred_element_type=F32)
  y = dinv_ref[0] * (acc + ur_ref[0]) + bias_ref[0][None, :]
  rows = lax.broadcasted_iota(jnp.int32, (TI, 1), 0) + i * TI
  z = jnp.where(rows < NPG, jnp.maximum(y, 0.0), 0.0)
  z_ref[0] = z

  @pl.when((b == 0) & (i == 0))
  def _():
    st_ref[...] = jnp.zeros_like(st_ref)

  part = jnp.stack([jnp.sum(z, axis=0), jnp.sum(z * z, axis=0)])
  st_ref[...] = st_ref[...] + part


def _conv(ct, u, dinv, bias):
  f = u.shape[-1]
  return pl.pallas_call(
      _conv_body,
      grid=(B, NP // TI),
      in_specs=[
          pl.BlockSpec((1, TI, NP), lambda b, i: (b, i, 0)),
          pl.BlockSpec((1, NP, f), lambda b, i: (b, 0, 0)),
          pl.BlockSpec((1, TI, f), lambda b, i: (b, i, 0)),
          pl.BlockSpec((1, TI, 1), lambda b, i: (b, i, 0)),
          pl.BlockSpec((1, f), lambda b, i: (0, 0)),
      ],
      out_specs=[
          pl.BlockSpec((1, TI, f), lambda b, i: (b, i, 0)),
          pl.BlockSpec((2, f), lambda b, i: (0, 0)),
      ],
      out_shape=[
          jax.ShapeDtypeStruct((B, NP, f), F32),
          jax.ShapeDtypeStruct((2, f), F32),
      ],
  )(ct, u, u, dinv, bias)



def _smax_body(z_ref, w_ref, k_ref, s_ref, ent_ref):
  b = pl.program_id(0)
  i = pl.program_id(1)
  t = jnp.dot(z_ref[0], w_ref[...], preferred_element_type=F32)
  t = jnp.maximum(t + k_ref[0][None, :], 0.0)
  m = jnp.max(t, axis=1, keepdims=True)
  e = jnp.exp(t - m)
  p = e / jnp.sum(e, axis=1, keepdims=True)
  rows = lax.broadcasted_iota(jnp.int32, (TI, 1), 0) + i * TI
  p = jnp.where(rows < NPG, p, 0.0)
  s_ref[0] = p

  @pl.when((b == 0) & (i == 0))
  def _():
    ent_ref[...] = jnp.zeros_like(ent_ref)

  ent = jnp.sum(-p * jnp.log(p + 1e-15))
  ent_ref[...] = ent_ref[...] + ent.reshape(1, 1)


def _smax(z, w, k):
  return pl.pallas_call(
      _smax_body,
      grid=(B, NP // TI),
      in_specs=[
          pl.BlockSpec((1, TI, 64), lambda b, i: (b, i, 0)),
          pl.BlockSpec((64, 64), lambda b, i: (0, 0)),
          pl.BlockSpec((1, 64), lambda b, i: (0, 0)),
      ],
      out_specs=[
          pl.BlockSpec((1, TI, 64), lambda b, i: (b, i, 0)),
          pl.BlockSpec((1, 1), lambda b, i: (0, 0)),
      ],
      out_shape=[
          jax.ShapeDtypeStruct((B, NP, 64), F32),
          jax.ShapeDtypeStruct((1, 1), F32),
      ],
  )(z, w, k)



def _link_body(ct_ref, sf_ref, sr_ref, o_ref):
  b = pl.program_id(0)
  i = pl.program_id(1)
  ct = ct_ref[0].astype(F32)
  t = jnp.dot(ct, sf_ref[0], preferred_element_type=F32)
  p2 = jnp.sum(t * sr_ref[0])
  c2 = jnp.sum(ct * ct)

  @pl.when((b == 0) & (i == 0))
  def _():
    o_ref[...] = jnp.zeros_like(o_ref)

  o_ref[...] = o_ref[...] + jnp.stack([c2, p2]).reshape(1, 2)


def _link(ct, s):
  return pl.pallas_call(
      _link_body,
      grid=(B, NP // TI),
      in_specs=[
          pl.BlockSpec((1, TI, NP), lambda b, i: (b, i, 0)),
          pl.BlockSpec((1, NP, 64), lambda b, i: (b, 0, 0)),
          pl.BlockSpec((1, TI, 64), lambda b, i: (b, i, 0)),
      ],
      out_specs=pl.BlockSpec((1, 2), lambda b, i: (0, 0)),
      out_shape=jax.ShapeDtypeStruct((1, 2), F32),
  )(ct, s, s)



def _k64_conv(x, w, bvec, blockmask):
  xw = jnp.dot(x, w, preferred_element_type=F32)
  rep = jnp.dot(blockmask, xw, preferred_element_type=F32)
  return (rep + xw) / 65.0 + bvec[None, :]


def _bn(z, gamma, beta):
  mu = jnp.mean(z, axis=0)
  var = jnp.mean(z * z, axis=0) - mu * mu
  return (z - mu[None, :]) / jnp.sqrt(var + 1e-5) * gamma[None, :] + beta[None, :]


def _tail_body(z1_ref, s_ref, scal_ref,
               pw1_ref, pb1_ref, pg1_ref, pe1_ref,
               pw2_ref, pb2_ref, pg2_ref, pe2_ref,
               pw3_ref, pb3_ref, pg3_ref, pe3_ref,
               plw_ref, plb_ref,
               e2w_ref, e2b_ref, e3w_ref, e3b_ref,
               l1w_ref, l1b_ref, l2w_ref, l2b_ref,
               logp_ref, loss_ref):
  dn = (((0,), (0,)), ((), ()))

  x2_list = []
  g2sum1 = jnp.float32(0.0)
  for b in range(B):
    sb = s_ref[b]
    x1b = z1_ref[b][:, 64:128]
    x2_list.append(lax.dot_general(sb, x1b, dn, preferred_element_type=F32))
    gb = lax.dot_general(sb, sb, dn, preferred_element_type=F32)
    g2sum1 = g2sum1 + jnp.sum(gb * gb)
  x2 = jnp.concatenate(x2_list, axis=0)

  n2 = B * 64
  ri = lax.broadcasted_iota(jnp.int32, (n2, n2), 0) // 64
  ci = lax.broadcasted_iota(jnp.int32, (n2, n2), 1) // 64
  blockmask = jnp.where(ri == ci, 1.0, 0.0)
  gi = lax.broadcasted_iota(jnp.int32, (B, n2), 0)
  gj = lax.broadcasted_iota(jnp.int32, (B, n2), 1) // 64
  sel = jnp.where(gi == gj, 1.0, 0.0)

  h = _bn(jnp.maximum(_k64_conv(x2, pw1_ref[...], pb1_ref[...], blockmask), 0.0),
          pg1_ref[...], pe1_ref[...])
  h = _bn(jnp.maximum(_k64_conv(h, pw2_ref[...], pb2_ref[...], blockmask), 0.0),
          pg2_ref[...], pe2_ref[...])
  h = _bn(jnp.maximum(_k64_conv(h, pw3_ref[...], pb3_ref[...], blockmask), 0.0),
          pg3_ref[...], pe3_ref[...])
  t = jnp.maximum(jnp.dot(h, plw_ref[...], preferred_element_type=F32)
                  + plb_ref[...][None, :], 0.0)
  tm = jnp.max(t, axis=1, keepdims=True)
  te = jnp.exp(t - tm)
  s2 = te / jnp.sum(te, axis=1, keepdims=True)
  ent2 = jnp.sum(-s2 * jnp.log(s2 + 1e-15)) / n2

  colsum = jnp.dot(sel, s2, preferred_element_type=F32)
  sump = jnp.sum(colsum * colsum)
  g2sum2 = jnp.float32(0.0)
  x3_list = []
  x2e = jnp.maximum(_k64_conv(x2, e2w_ref[...], e2b_ref[...], blockmask), 0.0)
  for b in range(B):
    s2b = s2[b * 64:(b + 1) * 64, :]
    g2b = lax.dot_general(s2b, s2b, dn, preferred_element_type=F32)
    g2sum2 = g2sum2 + jnp.sum(g2b * g2b)
    x2eb = x2e[b * 64:(b + 1) * 64, :]
    x3_list.append(lax.dot_general(s2b, x2eb, dn, preferred_element_type=F32))
  x3 = jnp.concatenate(x3_list, axis=0)

  x3e = jnp.maximum(_k64_conv(x3, e3w_ref[...], e3b_ref[...], blockmask), 0.0)
  xg = jnp.dot(sel, x3e, preferred_element_type=F32) / 64.0
  xg = jnp.maximum(jnp.dot(xg, l1w_ref[...], preferred_element_type=F32)
                   + l1b_ref[...][None, :], 0.0)
  logits = jnp.dot(xg, l2w_ref[...], preferred_element_type=F32) + l2b_ref[...][None, :]
  lm = jnp.max(logits, axis=1, keepdims=True)
  lse = lm + jnp.log(jnp.sum(jnp.exp(logits - lm), axis=1, keepdims=True))
  logp_ref[...] = logits - lse

  scal = scal_ref[...]
  sumct2 = scal[0, 0]
  p2 = scal[0, 1]
  ent1 = scal[0, 2] / (B * NPG)
  link1 = jnp.sqrt(jnp.maximum(sumct2 - 2.0 * p2 + g2sum1, 0.0)) / (B * NPG * NPG)
  link2sq = jnp.float32(B * 64 * 64) - 2.0 * sump + g2sum2
  link2 = jnp.sqrt(jnp.maximum(link2sq, 0.0)) / (B * 64 * 64)
  loss = link1 + link2 + ent1 + ent2
  loss_ref[...] = loss.reshape(1, 1)


def _tail(z1, s, scal, args):
  return pl.pallas_call(
      _tail_body,
      out_shape=[
          jax.ShapeDtypeStruct((B, 10), F32),
          jax.ShapeDtypeStruct((1, 1), F32),
      ],
  )(z1, s, scal, *args)



def _bn_fold(st, bn, count):
  mu = st[0] / count
  var = jnp.maximum(st[1] / count - mu * mu, 0.0)
  a = bn["gamma"] / jnp.sqrt(var + 1e-5)
  c = bn["beta"] - mu * a
  return a, c


def kernel(x, edge_index, batch, params):
  del batch
  p = params
  src = edge_index[0]
  dst = edge_index[1]

  ct_flat = _adj_call(src, dst)
  ct = ct_flat.reshape(B, NP, NP)
  degcol, ctb = _deg(ct)
  dinv3 = lax.rsqrt(degcol + 1.0)

  xp = jnp.pad(x.reshape(B, NPG, 128), ((0, 0), (0, NP - NPG), (0, 0)))
  w1 = jnp.concatenate([p["gnn1_pool"]["conv1"]["W"], p["gnn1_embed"]["W"]], axis=1)
  b1 = jnp.concatenate([p["gnn1_pool"]["conv1"]["b"], p["gnn1_embed"]["b"]])

  u0 = _prep(xp, w1, jnp.zeros((1, 128), F32), dinv3)
  z1, st1 = _conv(ctb, u0, dinv3, b1.reshape(1, 128))

  a1, c1 = _bn_fold(st1[:, :64], p["gnn1_pool"]["bn1"], B * NPG)
  w2 = p["gnn1_pool"]["conv2"]["W"]
  w2p = jnp.concatenate([a1[:, None] * w2, jnp.zeros((64, 64), F32)], axis=0)
  k2 = (c1 @ w2).reshape(1, 64)
  u2 = _prep(z1, w2p, k2, dinv3)
  z2, st2 = _conv(ctb, u2, dinv3, p["gnn1_pool"]["conv2"]["b"].reshape(1, 64))

  a2, c2 = _bn_fold(st2, p["gnn1_pool"]["bn2"], B * NPG)
  w3 = p["gnn1_pool"]["conv3"]["W"]
  u3 = _prep(z2, a2[:, None] * w3, (c2 @ w3).reshape(1, 64), dinv3)
  z3, st3 = _conv(ctb, u3, dinv3, p["gnn1_pool"]["conv3"]["b"].reshape(1, 64))

  a3, c3 = _bn_fold(st3, p["gnn1_pool"]["bn3"], B * NPG)
  wl = p["gnn1_pool"]["lin"]["W"]
  wlp = a3[:, None] * wl
  klin = (c3 @ wl + p["gnn1_pool"]["lin"]["b"]).reshape(1, 64)
  s, ent1 = _smax(z3, wlp, klin)

  lk = _link(ctb, s)
  scal = jnp.stack([lk[0, 0], lk[0, 1], ent1[0, 0]]).reshape(1, 3)

  gp = p["gnn2_pool"]
  args = [
      gp["conv1"]["W"], gp["conv1"]["b"], gp["bn1"]["gamma"], gp["bn1"]["beta"],
      gp["conv2"]["W"], gp["conv2"]["b"], gp["bn2"]["gamma"], gp["bn2"]["beta"],
      gp["conv3"]["W"], gp["conv3"]["b"], gp["bn3"]["gamma"], gp["bn3"]["beta"],
      gp["lin"]["W"], gp["lin"]["b"],
      p["gnn2_embed"]["W"], p["gnn2_embed"]["b"],
      p["gnn3_embed"]["W"], p["gnn3_embed"]["b"],
      p["lin1"]["W"], p["lin1"]["b"],
      p["lin2"]["W"], p["lin2"]["b"],
  ]
  logp, loss = _tail(z1, s, scal, args)
  return logp, loss[0, 0]

# --- scband reference (transcript-rebuilt; emitter-appended) ---
"""Pipeline reference for scband-model-76562087018931 (READ-ONLY COPY).

The authoritative reference and input builder live on the scoring server;
editing this copy changes nothing except your own understanding.
"""

import jax, jax.numpy as jnp
import numpy as np

N_NODES = 10000
B = 8
NPG = 1250
N_EDGES = 320000
D_IN = 128
H = 64
HLIN = 128
NCLS = 10
MAXN = 1250


def setup_inputs(seed: int = 0):
    key = jax.random.key(seed)
    ks = jax.random.split(key, 12)
    x = jax.random.normal(ks[0], (N_NODES, D_IN), dtype=jnp.float32)
    epg = N_EDGES // B
    src = jax.random.randint(ks[1], (B, epg), 0, NPG)
    dst = jax.random.randint(ks[2], (B, epg), 0, NPG)
    off = (jnp.arange(B) * NPG)[:, None]
    edge_index = jnp.stack([(src + off).reshape(-1), (dst + off).reshape(-1)]).astype(jnp.int32)
    batch = jnp.repeat(jnp.arange(B), NPG).astype(jnp.int32)

    def lin_p(k, fi, fo):
        k1, k2 = jax.random.split(k)
        s = 1.0 / np.sqrt(fi)
        return {"W": jax.random.uniform(k1, (fi, fo), minval=-s, maxval=s, dtype=jnp.float32),
                "b": jax.random.uniform(k2, (fo,), minval=-s, maxval=s, dtype=jnp.float32)}

    def bn_p(f):
        return {"gamma": jnp.ones((f,), jnp.float32), "beta": jnp.zeros((f,), jnp.float32)}

    def gnn_p(k, fin):
        kk = jax.random.split(k, 4)
        return {"conv1": lin_p(kk[0], fin, H), "bn1": bn_p(H),
                "conv2": lin_p(kk[1], H, H), "bn2": bn_p(H),
                "conv3": lin_p(kk[2], H, H), "bn3": bn_p(H),
                "lin": lin_p(kk[3], H, H)}

    params = {
        "gnn1_embed": lin_p(ks[3], D_IN, H),
        "gnn1_pool": gnn_p(ks[4], D_IN),
        "gnn2_embed": lin_p(ks[5], H, H),
        "gnn2_pool": gnn_p(ks[6], H),
        "gnn3_embed": lin_p(ks[7], H, H),
        "lin1": lin_p(ks[8], H, HLIN),
        "lin2": lin_p(ks[9], HLIN, NCLS),
    }
    return {"x": x, "edge_index": edge_index, "batch": batch, "params": params}


def gcn_conv(x, edge_index, p, n):
    src = edge_index[0]
    dst = edge_index[1]
    loops = jnp.arange(n, dtype=edge_index.dtype)
    s2 = jnp.concatenate([src, loops])
    d2 = jnp.concatenate([dst, loops])
    deg = jnp.zeros((n,), jnp.float32).at[d2].add(1.0)
    dinv = jax.lax.rsqrt(jnp.maximum(deg, 1.0))
    xw = x @ p["W"]
    coef = (dinv[s2] * dinv[d2])[:, None]
    out = jnp.zeros((n, xw.shape[1]), jnp.float32).at[d2].add(xw[s2] * coef)
    return out + p["b"]


def batch_norm(x, p):
    mu = x.mean(0)
    var = x.var(0)
    return (x - mu) / jnp.sqrt(var + 1e-5) * p["gamma"] + p["beta"]


def gnn_pool(x, edge_index, p, n):
    x = batch_norm(jax.nn.relu(gcn_conv(x, edge_index, p["conv1"], n)), p["bn1"])
    x = batch_norm(jax.nn.relu(gcn_conv(x, edge_index, p["conv2"], n)), p["bn2"])
    x = batch_norm(jax.nn.relu(gcn_conv(x, edge_index, p["conv3"], n)), p["bn3"])
    x = jax.nn.relu(x @ p["lin"]["W"] + p["lin"]["b"])
    return jax.nn.softmax(x, axis=-1)


def graph_ptr(batch, nb):
    counts = jnp.bincount(batch, length=nb)
    return jnp.concatenate([jnp.zeros((1,), counts.dtype), jnp.cumsum(counts)])


def to_dense_batch(x, batch, nb, m):
    ptr = graph_ptr(batch, nb)
    pos = jnp.arange(x.shape[0]) - ptr[batch]
    out = jnp.zeros((nb, m, x.shape[1]), x.dtype).at[batch, pos].set(x)
    mask = jnp.zeros((nb, m), bool).at[batch, pos].set(True)
    return out, mask


def to_dense_adj(edge_index, batch, nb, m):
    ptr = graph_ptr(batch, nb)
    src = edge_index[0]
    dst = edge_index[1]
    g = batch[src]
    ls = src - ptr[g]
    ld = dst - ptr[batch[dst]]
    return jnp.zeros((nb, m, m), jnp.float32).at[g, ls, ld].add(1.0)


def nerve_pool_complex(node_features, edge_features, cluster_assignments, edge_index, batch, nb, m):
    c = cluster_assignments.shape[1]
    x_d, _ = to_dense_batch(node_features, batch, nb, m)
    s_d, _ = to_dense_batch(cluster_assignments, batch, nb, m)
    x_new = jnp.einsum('bmc,bmf->bcf', s_d, x_d).reshape(nb * c, -1)
    base = jnp.arange(nb) * c
    ii, jj = jnp.meshgrid(jnp.arange(c), jnp.arange(c), indexing='ij')
    src = (base[:, None] + ii.reshape(-1)[None, :]).reshape(-1)
    dst = (base[:, None] + jj.reshape(-1)[None, :]).reshape(-1)
    ei_new = jnp.stack([src, dst]).astype(jnp.int32)
    ef_new = jnp.zeros((ei_new.shape[1], x_new.shape[1]), jnp.float32)
    batch_new = jnp.repeat(jnp.arange(nb), c).astype(jnp.int32)
    return x_new, ef_new, ei_new, batch_new


def reference(x, edge_index, batch, params):
    n = x.shape[0]
    s = gnn_pool(x, edge_index, params["gnn1_pool"], n)
    x1 = jax.nn.relu(gcn_conv(x, edge_index, params["gnn1_embed"], n))
    adj = to_dense_adj(edge_index, batch, B, MAXN)
    s_dense, _ = to_dense_batch(s, batch, B, MAXN)
    diff = adj - jnp.einsum('bmc,bnc->bmn', s_dense, s_dense)
    link_loss_1 = jnp.sqrt(jnp.sum(diff * diff)) / adj.size
    ent_loss_1 = (-s_dense * jnp.log(s_dense + 1e-15)).sum(-1).mean()
    ef = jnp.zeros((edge_index.shape[1], x1.shape[1]), jnp.float32)
    x2, ef, ei2, batch2 = nerve_pool_complex(x1, ef, s, edge_index, batch, B, MAXN)
    n2 = x2.shape[0]
    s = gnn_pool(x2, ei2, params["gnn2_pool"], n2)
    x2 = jax.nn.relu(gcn_conv(x2, ei2, params["gnn2_embed"], n2))
    m2 = n2 // B
    adj = to_dense_adj(ei2, batch2, B, m2)
    s_dense, _ = to_dense_batch(s, batch2, B, m2)
    diff = adj - jnp.einsum('bmc,bnc->bmn', s_dense, s_dense)
    link_loss_2 = jnp.sqrt(jnp.sum(diff * diff)) / adj.size
    ent_loss_2 = (-s_dense * jnp.log(s_dense + 1e-15)).sum(-1).mean()
    x3, ef, ei3, batch3 = nerve_pool_complex(x2, ef, s, ei2, batch2, B, m2)
    n3 = x3.shape[0]
    x3 = jax.nn.relu(gcn_conv(x3, ei3, params["gnn3_embed"], n3))
    sums = jax.ops.segment_sum(x3, batch3, num_segments=B)
    cnts = jax.ops.segment_sum(jnp.ones((n3,), jnp.float32), batch3, num_segments=B)
    xg = sums / cnts[:, None]
    xg = jax.nn.relu(xg @ params["lin1"]["W"] + params["lin1"]["b"])
    logits = xg @ params["lin2"]["W"] + params["lin2"]["b"]
    return (jax.nn.log_softmax(logits, axis=-1),
            link_loss_1 + link_loss_2 + ent_loss_1 + ent_loss_2)

if __name__ == "__main__":
    import jax
    _d = setup_inputs()
    print(jax.jit(kernel)(*tuple(_d.values())))

</pallas_src>

<mosaic_0001>
#map = affine_map<(d0, d1) -> (0)>
#map1 = affine_map<(d0, d1) -> (0, 0, 0)>
module attributes {stable_mosaic.version = 14 : i64} {
  func.func @_adj_body(%arg0: i32, %arg1: i32, %arg2: memref<320000xi32, #tpu.memory_space<hbm>>, %arg3: memref<320000xi32, #tpu.memory_space<hbm>>, %arg4: memref<8x102400x16xf32, #tpu.memory_space<hbm>>, %arg5: memref<102400x16xf32, #tpu.memory_space<vmem_shared>>, %arg6: memref<400x16xf32, #tpu.memory_space<vmem>>, %arg7: memref<640x16xf32, #tpu.memory_space<vmem>>, %arg8: memref<2496xi32, #tpu.memory_space<vmem>>, %arg9: memref<2496xi32, #tpu.memory_space<vmem>>, %arg10: memref<16xi32, #tpu.memory_space<vmem>>, %arg11: memref<16xi32, #tpu.memory_space<vmem>>, %arg12: memref<640xi32, #tpu.memory_space<vmem>>, %arg13: memref<16xi32, #tpu.memory_space<vmem>>) attributes {dimension_semantics = [#tpu.dimension_semantics<core_parallel>, #tpu.dimension_semantics<subcore_parallel>], iteration_bounds = array<i64: 2, 16>, scalar_prefetch = 0 : i64, scratch_operands = 9 : i64, tpu.core_type = #tpu.core_type<sc_vector_subcore>, window_params = [{transform_indices = #map}, {transform_indices = #map}, {transform_indices = #map1}]} {
    %broadcast_in_dim3A = arith.constant 0.000000e+00 : f32
    %broadcast_in_dim3A_0 = vector.broadcast %broadcast_in_dim3A : f32 to vector<16xf32>
    %broadcast_in_dim3A_1 = arith.constant 0 : i32
    %broadcast_in_dim3A_2 = vector.broadcast %broadcast_in_dim3A_1 : i32 to vector<16xi32>
    %broadcast_in_dim3A_3 = arith.constant 1.000000e+00 : f32
    %broadcast_in_dim3A_4 = vector.broadcast %broadcast_in_dim3A_3 : f32 to vector<16xf32>
    %iota3A = tpu.iota {dimensions = array<i32: 0>} : vector<16xi32>
    %broadcast_in_dim3A_5 = arith.constant 1280 : i32
    %broadcast_in_dim3A_6 = vector.broadcast %broadcast_in_dim3A_5 : i32 to vector<16xi32>
    %broadcast_in_dim3A_7 = arith.constant 4 : i32
    %broadcast_in_dim3A_8 = vector.broadcast %broadcast_in_dim3A_7 : i32 to vector<16xi32>
    %broadcast_in_dim3A_9 = arith.constant 15 : i32
    %broadcast_in_dim3A_10 = vector.broadcast %broadcast_in_dim3A_9 : i32 to vector<16xi32>
    %scan3A = arith.constant 0 : i32
    %scan3A_11 = arith.constant 0 : i32
    %scan3A_12 = arith.constant 400 : i32
    %scan3A_13 = arith.addi %scan3A_11, %scan3A_12 : i32
    %scan3A_14 = arith.constant 1 : i32
    scf.for %scan3A_34 = %scan3A_11 to %scan3A_13 step %scan3A_14  : i32 {
      %swap3A = arith.index_cast %scan3A_34 : i32 to index
      %swap3A_35 = arith.constant 0 : index
      %swap3A_36 = tpu.vector_load %arg6[%swap3A, %swap3A_35] {strides = array<i32>} : memref<400x16xf32, #tpu.memory_space<vmem>>, vector<16xf32>,
      tpu.vector_store %arg6[%swap3A, %swap3A_35], %broadcast_in_dim3A_0 {strides = array<i32>} : memref<400x16xf32, #tpu.memory_space<vmem>>, vector<16xf32>,
    }
    %scan3A_15 = arith.constant 400 : i32
    %scan3A_16 = arith.constant 0 : i32
    %scan3A_17 = arith.constant 0 : i32
    %scan3A_18 = arith.constant 640 : i32
    %scan3A_19 = arith.addi %scan3A_17, %scan3A_18 : i32
    %scan3A_20 = arith.constant 1 : i32
    scf.for %scan3A_34 = %scan3A_17 to %scan3A_19 step %scan3A_20  : i32 {
      %swap3A = arith.index_cast %scan3A_34 : i32 to index
      %swap3A_35 = arith.constant 0 : index
      %swap3A_36 = tpu.vector_load %arg7[%swap3A, %swap3A_35] {strides = array<i32>} : memref<640x16xf32, #tpu.memory_space<vmem>>, vector<16xf32>,
      tpu.vector_store %arg7[%swap3A, %swap3A_35], %broadcast_in_dim3A_0 {strides = array<i32>} : memref<640x16xf32, #tpu.memory_space<vmem>>, vector<16xf32>,
    }
    %scan3A_21 = arith.constant 640 : i32
    %scan3A_22 = arith.constant 0 : i32
    %scan3A_23 = arith.constant 0 : i32
    %scan3A_24 = arith.constant 40 : i32
    %scan3A_25 = arith.addi %scan3A_23, %scan3A_24 : i32
    %scan3A_26 = arith.constant 1 : i32
    scf.for %scan3A_34 = %scan3A_23 to %scan3A_25 step %scan3A_26  : i32 {
      %mul3A = arith.constant 16 : i32
      %mul3A_35 = arith.muli %scan3A_34, %mul3A : i32
      %swap3A = arith.index_cast %mul3A_35 : i32 to index
      %swap3A_36 = tpu.vector_load %arg12[%swap3A] {strides = array<i32>} : memref<640xi32, #tpu.memory_space<vmem>>, vector<16xi32>,
      tpu.vector_store %arg12[%swap3A], %broadcast_in_dim3A_2 {strides = array<i32>} : memref<640xi32, #tpu.memory_space<vmem>>, vector<16xi32>,
    }
    %scan3A_27 = arith.constant 40 : i32
    %scan3A_28 = arith.constant 0 : i32
    %scan3A_29 = arith.constant 0 : i32
    %scan3A_30 = arith.constant 4 : i32
    %scan3A_31 = arith.addi %scan3A_29, %scan3A_30 : i32
    %scan3A_32 = arith.constant 1 : i32
    scf.for %scan3A_34 = %scan3A_29 to %scan3A_31 step %scan3A_32  : i32 {
      %mul3A = arith.constant 4 : i32
      %mul3A_35 = arith.muli %arg0, %mul3A : i32
      %add3A = arith.addi %mul3A_35, %scan3A_34 : i32
      %mul3A_36 = arith.constant 1250 : i32
      %mul3A_37 = arith.muli %add3A, %mul3A_36 : i32
      %broadcast_in_dim3A_38 = vector.broadcast %mul3A_37 : i32 to vector<16xi32>
      %mul3A_39 = arith.constant 40000 : i32
      %mul3A_40 = arith.muli %add3A, %mul3A_39 : i32
      %scan3A_41 = arith.constant 0 : i32
      %scan3A_42 = arith.constant 0 : i32
      %scan3A_43 = arith.constant 16 : i32
      %scan3A_44 = arith.addi %scan3A_42, %scan3A_43 : i32
      %scan3A_45 = arith.constant 1 : i32
      scf.for %scan3A_64 = %scan3A_42 to %scan3A_44 step %scan3A_45  : i32 {
        %mul3A_65 = arith.constant 6400 : i32
        %mul3A_66 = arith.muli %arg1, %mul3A_65 : i32
        %mul3A_67 = arith.constant 400 : i32
        %mul3A_68 = arith.muli %scan3A_64, %mul3A_67 : i32
        %add3A_69 = arith.addi %mul3A_66, %mul3A_68 : i32
        "tpu.region"() ({
          %run_scoped3A = tpu.sem_alloc : memref<!tpu.dma_semaphore, #tpu.memory_space<semaphore_mem>>
          %dma_start3A = arith.constant 0 : i32
          %dma_start3A_70 = tpu.memref_slice %arg5[%add3A_69, %dma_start3A] : memref<102400x16xf32, #tpu.memory_space<vmem_shared>> -> memref<400x16xf32, #tpu.memory_space<vmem_shared>>
          %dma_start3A_71 = arith.constant 0 : i32
          %dma_start3A_72 = tpu.memref_slice %arg5[%add3A_69, %dma_start3A_71] : memref<102400x16xf32, #tpu.memory_space<vmem_shared>> -> memref<400x16xf32, #tpu.memory_space<vmem_shared>>
          tpu.enqueue_dma source(%arg6 : memref<400x16xf32, #tpu.memory_space<vmem>>) target(%dma_start3A_72 : memref<400x16xf32, #tpu.memory_space<vmem_shared>>) target_semaphore(%run_scoped3A : memref<!tpu.dma_semaphore, #tpu.memory_space<semaphore_mem>>)
          %dma_wait3A = arith.constant 0 : i32
          %dma_wait3A_73 = tpu.memref_slice %arg5[%add3A_69, %dma_wait3A] : memref<102400x16xf32, #tpu.memory_space<vmem_shared>> -> memref<400x16xf32, #tpu.memory_space<vmem_shared>>
          %dma_wait3A_74 = arith.constant 0 : i32
          %dma_wait3A_75 = tpu.memref_slice %arg5[%add3A_69, %dma_wait3A_74] : memref<102400x16xf32, #tpu.memory_space<vmem_shared>> -> memref<400x16xf32, #tpu.memory_space<vmem_shared>>
          tpu.wait_dma2 semaphore(%run_scoped3A : memref<!tpu.dma_semaphore, #tpu.memory_space<semaphore_mem>>) src(%arg6 : memref<400x16xf32, #tpu.memory_space<vmem>>) dst(%dma_wait3A_75 : memref<400x16xf32, #tpu.memory_space<vmem_shared>>)
          tpu.yield
        }) : () -> ()
      }
      %scan3A_46 = arith.constant 16 : i32
      %barrier3A = arith.constant 0 : index
      tpu.barrier barrier_id(%barrier3A)
      %mul3A_47 = arith.constant 2496 : i32
      %mul3A_48 = arith.muli %arg1, %mul3A_47 : i32
      %add3A_49 = arith.addi %mul3A_40, %mul3A_48 : i32
      "tpu.region"() ({
        %run_scoped3A = tpu.sem_alloc : memref<!tpu.dma_semaphore, #tpu.memory_space<semaphore_mem>>
        %dma_start3A = tpu.memref_slice %arg2[%add3A_49] : memref<320000xi32, #tpu.memory_space<hbm>> -> memref<2496xi32, #tpu.memory_space<hbm>>
        %dma_start3A_64 = tpu.memref_slice %arg2[%add3A_49] : memref<320000xi32, #tpu.memory_space<hbm>> -> memref<2496xi32, #tpu.memory_space<hbm>>
        tpu.enqueue_dma source(%dma_start3A_64 : memref<2496xi32, #tpu.memory_space<hbm>>) target(%arg8 : memref<2496xi32, #tpu.memory_space<vmem>>) target_semaphore(%run_scoped3A : memref<!tpu.dma_semaphore, #tpu.memory_space<semaphore_mem>>)
        %dma_wait3A = tpu.memref_slice %arg2[%add3A_49] : memref<320000xi32, #tpu.memory_space<hbm>> -> memref<2496xi32, #tpu.memory_space<hbm>>
        %dma_wait3A_65 = tpu.memref_slice %arg2[%add3A_49] : memref<320000xi32, #tpu.memory_space<hbm>> -> memref<2496xi32, #tpu.memory_space<hbm>>
        tpu.wait_dma2 semaphore(%run_scoped3A : memref<!tpu.dma_semaphore, #tpu.memory_space<semaphore_mem>>) src(%dma_wait3A_65 : memref<2496xi32, #tpu.memory_space<hbm>>) dst(%arg8 : memref<2496xi32, #tpu.memory_space<vmem>>)
        tpu.yield
      }) : () -> ()
      "tpu.region"() ({
        %run_scoped3A = tpu.sem_alloc : memref<!tpu.dma_semaphore, #tpu.memory_space<semaphore_mem>>
        %dma_start3A = tpu.memref_slice %arg3[%add3A_49] : memref<320000xi32, #tpu.memory_space<hbm>> -> memref<2496xi32, #tpu.memory_space<hbm>>
        %dma_start3A_64 = tpu.memref_slice %arg3[%add3A_49] : memref<320000xi32, #tpu.memory_space<hbm>> -> memref<2496xi32, #tpu.memory_space<hbm>>
        tpu.enqueue_dma source(%dma_start3A_64 : memref<2496xi32, #tpu.memory_space<hbm>>) target(%arg9 : memref<2496xi32, #tpu.memory_space<vmem>>) target_semaphore(%run_scoped3A : memref<!tpu.dma_semaphore, #tpu.memory_space<semaphore_mem>>)
        %dma_wait3A = tpu.memref_slice %arg3[%add3A_49] : memref<320000xi32, #tpu.memory_space<hbm>> -> memref<2496xi32, #tpu.memory_space<hbm>>
        %dma_wait3A_65 = tpu.memref_slice %arg3[%add3A_49] : memref<320000xi32, #tpu.memory_space<hbm>> -> memref<2496xi32, #tpu.memory_space<hbm>>
        tpu.wait_dma2 semaphore(%run_scoped3A : memref<!tpu.dma_semaphore, #tpu.memory_space<semaphore_mem>>) src(%dma_wait3A_65 : memref<2496xi32, #tpu.memory_space<hbm>>) dst(%arg9 : memref<2496xi32, #tpu.memory_space<vmem>>)
        tpu.yield
      }) : () -> ()
      %scan3A_50 = arith.constant 0 : i32
      %scan3A_51 = arith.constant 0 : i32
      %scan3A_52 = arith.constant 4 : i32
      %scan3A_53 = arith.addi %scan3A_51, %scan3A_52 : i32
      %scan3A_54 = arith.constant 1 : i32
      scf.for %scan3A_64 = %scan3A_51 to %scan3A_53 step %scan3A_54  : i32 {
        %scan3A_65 = arith.constant 0 : i32
        %scan3A_66 = arith.constant 0 : i32
        %scan3A_67 = arith.constant 39 : i32
        %scan3A_68 = arith.addi %scan3A_66, %scan3A_67 : i32
        %scan3A_69 = arith.constant 1 : i32
        scf.for %scan3A_71 = %scan3A_66 to %scan3A_68 step %scan3A_69  : i32 {
          %mul3A_72 = arith.constant 624 : i32
          %mul3A_73 = arith.muli %scan3A_64, %mul3A_72 : i32
          %mul3A_74 = arith.constant 16 : i32
          %mul3A_75 = arith.muli %scan3A_71, %mul3A_74 : i32
          %add3A_76 = arith.addi %mul3A_73, %mul3A_75 : i32
          %get3A = arith.index_cast %add3A_76 : i32 to index
          %get3A_77 = tpu.vector_load %arg8[%get3A] {strides = array<i32>} : memref<2496xi32, #tpu.memory_space<vmem>>, vector<16xi32>,
          %mul3A_78 = arith.constant 624 : i32
          %mul3A_79 = arith.muli %scan3A_64, %mul3A_78 : i32
          %mul3A_80 = arith.constant 16 : i32
          %mul3A_81 = arith.muli %scan3A_71, %mul3A_80 : i32
          %add3A_82 = arith.addi %mul3A_79, %mul3A_81 : i32
          %get3A_83 = arith.index_cast %add3A_82 : i32 to index
          %get3A_84 = tpu.vector_load %arg9[%get3A_83] {strides = array<i32>} : memref<2496xi32, #tpu.memory_space<vmem>>, vector<16xi32>,
          %mul3A_85 = arith.constant 16 : i32
          %mul3A_86 = arith.muli %scan3A_71, %mul3A_85 : i32
          %mul3A_87 = arith.constant 16 : i32
          %mul3A_88 = arith.muli %scan3A_71, %mul3A_87 : i32
          %sub3A = arith.subi %get3A_77, %broadcast_in_dim3A_38 : vector<16xi32>
          %sub3A_89 = arith.subi %get3A_84, %broadcast_in_dim3A_38 : vector<16xi32>
          %mul3A_90 = arith.muli %sub3A_89, %broadcast_in_dim3A_6 : vector<16xi32>
          %add3A_91 = arith.addi %mul3A_90, %sub3A : vector<16xi32>
          %shift_right_logical3A = arith.shrui %add3A_91, %broadcast_in_dim3A_8 : vector<16xi32>
          %and3A = arith.andi %add3A_91, %broadcast_in_dim3A_10 : vector<16xi32>
          %add3A_92 = arith.constant 0 : i32
          %add3A_93 = arith.addi %mul3A_86, %add3A_92 : i32
          %swap3A = arith.index_cast %add3A_93 : i32 to index
          %swap3A_94 = arith.constant 0 : index
          %swap3A_95 = tpu.vector_load %arg7[%swap3A, %swap3A_94] {strides = array<i32>} : memref<640x16xf32, #tpu.memory_space<vmem>>, vector<16xf32>,
          tpu.vector_store %arg7[%swap3A, %swap3A_94], %broadcast_in_dim3A_0 {strides = array<i32>} : memref<640x16xf32, #tpu.memory_space<vmem>>, vector<16xf32>,
          %add3A_96 = arith.constant 1 : i32
          %add3A_97 = arith.addi %mul3A_86, %add3A_96 : i32
          %swap3A_98 = arith.index_cast %add3A_97 : i32 to index
          %swap3A_99 = arith.constant 0 : index
          %swap3A_100 = tpu.vector_load %arg7[%swap3A_98, %swap3A_99] {strides = array<i32>} : memref<640x16xf32, #tpu.memory_space<vmem>>, vector<16xf32>,
          tpu.vector_store %arg7[%swap3A_98, %swap3A_99], %broadcast_in_dim3A_0 {strides = array<i32>} : memref<640x16xf32, #tpu.memory_space<vmem>>, vector<16xf32>,
          %add3A_101 = arith.constant 2 : i32
          %add3A_102 = arith.addi %mul3A_86, %add3A_101 : i32
          %swap3A_103 = arith.index_cast %add3A_102 : i32 to index
          %swap3A_104 = arith.constant 0 : index
          %swap3A_105 = tpu.vector_load %arg7[%swap3A_103, %swap3A_104] {strides = array<i32>} : memref<640x16xf32, #tpu.memory_space<vmem>>, vector<16xf32>,
          tpu.vector_store %arg7[%swap3A_103, %swap3A_104], %broadcast_in_dim3A_0 {strides = array<i32>} : memref<640x16xf32, #tpu.memory_space<vmem>>, vector<16xf32>,
          %add3A_106 = arith.constant 3 : i32
          %add3A_107 = arith.addi %mul3A_86, %add3A_106 : i32
          %swap3A_108 = arith.index_cast %add3A_107 : i32 to index
          %swap3A_109 = arith.constant 0 : index
          %swap3A_110 = tpu.vector_load %arg7[%swap3A_108, %swap3A_109] {strides = array<i32>} : memref<640x16xf32, #tpu.memory_space<vmem>>, vector<16xf32>,
          tpu.vector_store %arg7[%swap3A_108, %swap3A_109], %broadcast_in_dim3A_0 {strides = array<i32>} : memref<640x16xf32, #tpu.memory_space<vmem>>, vector<16xf32>,
          %add3A_111 = arith.constant 4 : i32
          %add3A_112 = arith.addi %mul3A_86, %add3A_111 : i32
          %swap3A_113 = arith.index_cast %add3A_112 : i32 to index
          %swap3A_114 = arith.constant 0 : index
          %swap3A_115 = tpu.vector_load %arg7[%swap3A_113, %swap3A_114] {strides = array<i32>} : memref<640x16xf32, #tpu.memory_space<vmem>>, vector<16xf32>,
          tpu.vector_store %arg7[%swap3A_113, %swap3A_114], %broadcast_in_dim3A_0 {strides = array<i32>} : memref<640x16xf32, #tpu.memory_space<vmem>>, vector<16xf32>,
          %add3A_116 = arith.constant 5 : i32
          %add3A_117 = arith.addi %mul3A_86, %add3A_116 : i32
          %swap3A_118 = arith.index_cast %add3A_117 : i32 to index
          %swap3A_119 = arith.constant 0 : index
          %swap3A_120 = tpu.vector_load %arg7[%swap3A_118, %swap3A_119] {strides = array<i32>} : memref<640x16xf32, #tpu.memory_space<vmem>>, vector<16xf32>,
          tpu.vector_store %arg7[%swap3A_118, %swap3A_119], %broadcast_in_dim3A_0 {strides = array<i32>} : memref<640x16xf32, #tpu.memory_space<vmem>>, vector<16xf32>,
          %add3A_121 = arith.constant 6 : i32
          %add3A_122 = arith.addi %mul3A_86, %add3A_121 : i32
          %swap3A_123 = arith.index_cast %add3A_122 : i32 to index
          %swap3A_124 = arith.constant 0 : index
          %swap3A_125 = tpu.vector_load %arg7[%swap3A_123, %swap3A_124] {strides = array<i32>} : memref<640x16xf32, #tpu.memory_space<vmem>>, vector<16xf32>,
          tpu.vector_store %arg7[%swap3A_123, %swap3A_124], %broadcast_in_dim3A_0 {strides = array<i32>} : memref<640x16xf32, #tpu.memory_space<vmem>>, vector<16xf32>,
          %add3A_126 = arith.constant 7 : i32
          %add3A_127 = arith.addi %mul3A_86, %add3A_126 : i32
          %swap3A_128 = arith.index_cast %add3A_127 : i32 to index
          %swap3A_129 = arith.constant 0 : index
          %swap3A_130 = tpu.vector_load %arg7[%swap3A_128, %swap3A_129] {strides = array<i32>} : memref<640x16xf32, #tpu.memory_space<vmem>>, vector<16xf32>,
          tpu.vector_store %arg7[%swap3A_128, %swap3A_129], %broadcast_in_dim3A_0 {strides = array<i32>} : memref<640x16xf32, #tpu.memory_space<vmem>>, vector<16xf32>,
          %add3A_131 = arith.constant 8 : i32
          %add3A_132 = arith.addi %mul3A_86, %add3A_131 : i32
          %swap3A_133 = arith.index_cast %add3A_132 : i32 to index
          %swap3A_134 = arith.constant 0 : index
          %swap3A_135 = tpu.vector_load %arg7[%swap3A_133, %swap3A_134] {strides = array<i32>} : memref<640x16xf32, #tpu.memory_space<vmem>>, vector<16xf32>,
          tpu.vector_store %arg7[%swap3A_133, %swap3A_134], %broadcast_in_dim3A_0 {strides = array<i32>} : memref<640x16xf32, #tpu.memory_space<vmem>>, vector<16xf32>,
          %add3A_136 = arith.constant 9 : i32
          %add3A_137 = arith.addi %mul3A_86, %add3A_136 : i32
          %swap3A_138 = arith.index_cast %add3A_137 : i32 to index
          %swap3A_139 = arith.constant 0 : index
          %swap3A_140 = tpu.vector_load %arg7[%swap3A_138, %swap3A_139] {strides = array<i32>} : memref<640x16xf32, #tpu.memory_space<vmem>>, vector<16xf32>,
          tpu.vector_store %arg7[%swap3A_138, %swap3A_139], %broadcast_in_dim3A_0 {strides = array<i32>} : memref<640x16xf32, #tpu.memory_space<vmem>>, vector<16xf32>,
          %add3A_141 = arith.constant 10 : i32
          %add3A_142 = arith.addi %mul3A_86, %add3A_141 : i32
          %swap3A_143 = arith.index_cast %add3A_142 : i32 to index
          %swap3A_144 = arith.constant 0 : index
          %swap3A_145 = tpu.vector_load %arg7[%swap3A_143, %swap3A_144] {strides = array<i32>} : memref<640x16xf32, #tpu.memory_space<vmem>>, vector<16xf32>,
          tpu.vector_store %arg7[%swap3A_143, %swap3A_144], %broadcast_in_dim3A_0 {strides = array<i32>} : memref<640x16xf32, #tpu.memory_space<vmem>>, vector<16xf32>,
          %add3A_146 = arith.constant 11 : i32
          %add3A_147 = arith.addi %mul3A_86, %add3A_146 : i32
          %swap3A_148 = arith.index_cast %add3A_147 : i32 to index
          %swap3A_149 = arith.constant 0 : index
          %swap3A_150 = tpu.vector_load %arg7[%swap3A_148, %swap3A_149] {strides = array<i32>} : memref<640x16xf32, #tpu.memory_space<vmem>>, vector<16xf32>,
          tpu.vector_store %arg7[%swap3A_148, %swap3A_149], %broadcast_in_dim3A_0 {strides = array<i32>} : memref<640x16xf32, #tpu.memory_space<vmem>>, vector<16xf32>,
          %add3A_151 = arith.constant 12 : i32
          %add3A_152 = arith.addi %mul3A_86, %add3A_151 : i32
          %swap3A_153 = arith.index_cast %add3A_152 : i32 to index
          %swap3A_154 = arith.constant 0 : index
          %swap3A_155 = tpu.vector_load %arg7[%swap3A_153, %swap3A_154] {strides = array<i32>} : memref<640x16xf32, #tpu.memory_space<vmem>>, vector<16xf32>,
          tpu.vector_store %arg7[%swap3A_153, %swap3A_154], %broadcast_in_dim3A_0 {strides = array<i32>} : memref<640x16xf32, #tpu.memory_space<vmem>>, vector<16xf32>,
          %add3A_156 = arith.constant 13 : i32
          %add3A_157 = arith.addi %mul3A_86, %add3A_156 : i32
          %swap3A_158 = arith.index_cast %add3A_157 : i32 to index
          %swap3A_159 = arith.constant 0 : index
          %swap3A_160 = tpu.vector_load %arg7[%swap3A_158, %swap3A_159] {strides = array<i32>} : memref<640x16xf32, #tpu.memory_space<vmem>>, vector<16xf32>,
          tpu.vector_store %arg7[%swap3A_158, %swap3A_159], %broadcast_in_dim3A_0 {strides = array<i32>} : memref<640x16xf32, #tpu.memory_space<vmem>>, vector<16xf32>,
          %add3A_161 = arith.constant 14 : i32
          %add3A_162 = arith.addi %mul3A_86, %add3A_161 : i32
          %swap3A_163 = arith.index_cast %add3A_162 : i32 to index
          %swap3A_164 = arith.constant 0 : index
          %swap3A_165 = tpu.vector_load %arg7[%swap3A_163, %swap3A_164] {strides = array<i32>} : memref<640x16xf32, #tpu.memory_space<vmem>>, vector<16xf32>,
          tpu.vector_store %arg7[%swap3A_163, %swap3A_164], %broadcast_in_dim3A_0 {strides = array<i32>} : memref<640x16xf32, #tpu.memory_space<vmem>>, vector<16xf32>,
          %add3A_166 = arith.constant 15 : i32
          %add3A_167 = arith.addi %mul3A_86, %add3A_166 : i32
          %swap3A_168 = arith.index_cast %add3A_167 : i32 to index
          %swap3A_169 = arith.constant 0 : index
          %swap3A_170 = tpu.vector_load %arg7[%swap3A_168, %swap3A_169] {strides = array<i32>} : memref<640x16xf32, #tpu.memory_space<vmem>>, vector<16xf32>,
          tpu.vector_store %arg7[%swap3A_168, %swap3A_169], %broadcast_in_dim3A_0 {strides = array<i32>} : memref<640x16xf32, #tpu.memory_space<vmem>>, vector<16xf32>,
          %broadcast_in_dim3A_171 = vector.broadcast %mul3A_86 : i32 to vector<16xi32>
          %add3A_172 = arith.addi %broadcast_in_dim3A_171, %iota3A : vector<16xi32>
          tpu.vector_store_idx %arg7[%add3A_172, %and3A], %broadcast_in_dim3A_4 : memref<640x16xf32, #tpu.memory_space<vmem>>[vector<16xi32>, vector<16xi32>], vector<16xf32>,
          %swap3A_173 = arith.index_cast %mul3A_88 : i32 to index
          %swap3A_174 = tpu.vector_load %arg12[%swap3A_173] {strides = array<i32>} : memref<640xi32, #tpu.memory_space<vmem>>, vector<16xi32>,
          tpu.vector_store %arg12[%swap3A_173], %shift_right_logical3A {strides = array<i32>} : memref<640xi32, #tpu.memory_space<vmem>>, vector<16xi32>,
        }
        %scan3A_70 = arith.constant 39 : i32
        "tpu.region"() ({
          %run_scoped3A = tpu.sem_alloc : memref<!tpu.dma_semaphore, #tpu.memory_space<semaphore_mem>>
          %dma_start3A = arith.constant 0 : i32
          %dma_start3A_71 = arith.constant 0 : i32
          %dma_start3A_72 = tpu.memref_slice %arg5[%dma_start3A, %dma_start3A_71] : memref<102400x16xf32, #tpu.memory_space<vmem_shared>> -> memref<102400x16xf32, #tpu.memory_space<vmem_shared>>
          tpu.enqueue_indirect_dma source(%arg7 : memref<640x16xf32, #tpu.memory_space<vmem>>) target(%dma_start3A_72 : memref<102400x16xf32, #tpu.memory_space<vmem_shared>>) offsets(%arg12 : memref<640xi32, #tpu.memory_space<vmem>>) semaphore(%run_scoped3A : memref<!tpu.dma_semaphore, #tpu.memory_space<semaphore_mem>>) {add = true}
          %dma_wait3A = arith.constant 0 : i32
          %dma_wait3A_73 = arith.constant 0 : i32
          %dma_wait3A_74 = tpu.memref_slice %arg5[%dma_wait3A, %dma_wait3A_73] : memref<102400x16xf32, #tpu.memory_space<vmem_shared>> -> memref<102400x16xf32, #tpu.memory_space<vmem_shared>>
          tpu.wait_indirect_dma semaphore(%run_scoped3A : memref<!tpu.dma_semaphore, #tpu.memory_space<semaphore_mem>>) src(%arg7 : memref<640x16xf32, #tpu.memory_space<vmem>>) dst(%dma_wait3A_74 : memref<102400x16xf32, #tpu.memory_space<vmem_shared>>)
          tpu.yield
        }) : () -> ()
      }
      %scan3A_55 = arith.constant 4 : i32
      %lt3A = arith.constant 4 : i32
      %lt3A_56 = arith.cmpi slt, %arg1, %lt3A : i32
      %convert_element_type3A = arith.extui %lt3A_56 : i1 to i32
      %cond3A = arith.constant 0 : i32
      %cond3A_57 = arith.cmpi ne, %convert_element_type3A, %cond3A : i32
      scf.if %cond3A_57 {
        %add3A_64 = arith.constant 39936 : i32
        %add3A_65 = arith.addi %mul3A_40, %add3A_64 : i32
        %mul3A_66 = arith.constant 16 : i32
        %mul3A_67 = arith.muli %arg1, %mul3A_66 : i32
        %add3A_68 = arith.addi %add3A_65, %mul3A_67 : i32
        "tpu.region"() ({
          %run_scoped3A = tpu.sem_alloc : memref<!tpu.dma_semaphore, #tpu.memory_space<semaphore_mem>>
          %dma_start3A = tpu.memref_slice %arg2[%add3A_68] : memref<320000xi32, #tpu.memory_space<hbm>> -> memref<16xi32, #tpu.memory_space<hbm>>
          %dma_start3A_143 = tpu.memref_slice %arg2[%add3A_68] : memref<320000xi32, #tpu.memory_space<hbm>> -> memref<16xi32, #tpu.memory_space<hbm>>
          tpu.enqueue_dma source(%dma_start3A_143 : memref<16xi32, #tpu.memory_space<hbm>>) target(%arg10 : memref<16xi32, #tpu.memory_space<vmem>>) target_semaphore(%run_scoped3A : memref<!tpu.dma_semaphore, #tpu.memory_space<semaphore_mem>>)
          %dma_wait3A = tpu.memref_slice %arg2[%add3A_68] : memref<320000xi32, #tpu.memory_space<hbm>> -> memref<16xi32, #tpu.memory_space<hbm>>
          %dma_wait3A_144 = tpu.memref_slice %arg2[%add3A_68] : memref<320000xi32, #tpu.memory_space<hbm>> -> memref<16xi32, #tpu.memory_space<hbm>>
          tpu.wait_dma2 semaphore(%run_scoped3A : memref<!tpu.dma_semaphore, #tpu.memory_space<semaphore_mem>>) src(%dma_wait3A_144 : memref<16xi32, #tpu.memory_space<hbm>>) dst(%arg10 : memref<16xi32, #tpu.memory_space<vmem>>)
          tpu.yield
        }) : () -> ()
        "tpu.region"() ({
          %run_scoped3A = tpu.sem_alloc : memref<!tpu.dma_semaphore, #tpu.memory_space<semaphore_mem>>
          %dma_start3A = tpu.memref_slice %arg3[%add3A_68] : memref<320000xi32, #tpu.memory_space<hbm>> -> memref<16xi32, #tpu.memory_space<hbm>>
          %dma_start3A_143 = tpu.memref_slice %arg3[%add3A_68] : memref<320000xi32, #tpu.memory_space<hbm>> -> memref<16xi32, #tpu.memory_space<hbm>>
          tpu.enqueue_dma source(%dma_start3A_143 : memref<16xi32, #tpu.memory_space<hbm>>) target(%arg11 : memref<16xi32, #tpu.memory_space<vmem>>) target_semaphore(%run_scoped3A : memref<!tpu.dma_semaphore, #tpu.memory_space<semaphore_mem>>)
          %dma_wait3A = tpu.memref_slice %arg3[%add3A_68] : memref<320000xi32, #tpu.memory_space<hbm>> -> memref<16xi32, #tpu.memory_space<hbm>>
          %dma_wait3A_144 = tpu.memref_slice %arg3[%add3A_68] : memref<320000xi32, #tpu.memory_space<hbm>> -> memref<16xi32, #tpu.memory_space<hbm>>
          tpu.wait_dma2 semaphore(%run_scoped3A : memref<!tpu.dma_semaphore, #tpu.memory_space<semaphore_mem>>) src(%dma_wait3A_144 : memref<16xi32, #tpu.memory_space<hbm>>) dst(%arg11 : memref<16xi32, #tpu.memory_space<vmem>>)
          tpu.yield
        }) : () -> ()
        %get3A = arith.constant 0 : index
        %get3A_69 = tpu.vector_load %arg10[%get3A] {strides = array<i32>} : memref<16xi32, #tpu.memory_space<vmem>>, vector<16xi32>,
        %get3A_70 = arith.constant 0 : index
        %get3A_71 = tpu.vector_load %arg11[%get3A_70] {strides = array<i32>} : memref<16xi32, #tpu.memory_space<vmem>>, vector<16xi32>,
        %sub3A = arith.subi %get3A_69, %broadcast_in_dim3A_38 : vector<16xi32>
        %sub3A_72 = arith.subi %get3A_71, %broadcast_in_dim3A_38 : vector<16xi32>
        %mul3A_73 = arith.muli %sub3A_72, %broadcast_in_dim3A_6 : vector<16xi32>
        %add3A_74 = arith.addi %mul3A_73, %sub3A : vector<16xi32>
        %shift_right_logical3A = arith.shrui %add3A_74, %broadcast_in_dim3A_8 : vector<16xi32>
        %and3A = arith.andi %add3A_74, %broadcast_in_dim3A_10 : vector<16xi32>
        %swap3A = arith.constant 0 : i32
        %swap3A_75 = arith.index_cast %swap3A : i32 to index
        %swap3A_76 = arith.constant 0 : index
        %swap3A_77 = tpu.vector_load %arg7[%swap3A_75, %swap3A_76] {strides = array<i32>} : memref<640x16xf32, #tpu.memory_space<vmem>>, vector<16xf32>,
        tpu.vector_store %arg7[%swap3A_75, %swap3A_76], %broadcast_in_dim3A_0 {strides = array<i32>} : memref<640x16xf32, #tpu.memory_space<vmem>>, vector<16xf32>,
        %swap3A_78 = arith.constant 1 : i32
        %swap3A_79 = arith.index_cast %swap3A_78 : i32 to index
        %swap3A_80 = arith.constant 0 : index
        %swap3A_81 = tpu.vector_load %arg7[%swap3A_79, %swap3A_80] {strides = array<i32>} : memref<640x16xf32, #tpu.memory_space<vmem>>, vector<16xf32>,
        tpu.vector_store %arg7[%swap3A_79, %swap3A_80], %broadcast_in_dim3A_0 {strides = array<i32>} : memref<640x16xf32, #tpu.memory_space<vmem>>, vector<16xf32>,
        %swap3A_82 = arith.constant 2 : i32
        %swap3A_83 = arith.index_cast %swap3A_82 : i32 to index
        %swap3A_84 = arith.constant 0 : index
        %swap3A_85 = tpu.vector_load %arg7[%swap3A_83, %swap3A_84] {strides = array<i32>} : memref<640x16xf32, #tpu.memory_space<vmem>>, vector<16xf32>,
        tpu.vector_store %arg7[%swap3A_83, %swap3A_84], %broadcast_in_dim3A_0 {strides = array<i32>} : memref<640x16xf32, #tpu.memory_space<vmem>>, vector<16xf32>,
        %swap3A_86 = arith.constant 3 : i32
        %swap3A_87 = arith.index_cast %swap3A_86 : i32 to index
        %swap3A_88 = arith.constant 0 : index
        %swap3A_89 = tpu.vector_load %arg7[%swap3A_87, %swap3A_88] {strides = array<i32>} : memref<640x16xf32, #tpu.memory_space<vmem>>, vector<16xf32>,
        tpu.vector_store %arg7[%swap3A_87, %swap3A_88], %broadcast_in_dim3A_0 {strides = array<i32>} : memref<640x16xf32, #tpu.memory_space<vmem>>, vector<16xf32>,
        %swap3A_90 = arith.constant 4 : i32
        %swap3A_91 = arith.index_cast %swap3A_90 : i32 to index
        %swap3A_92 = arith.constant 0 : index
        %swap3A_93 = tpu.vector_load %arg7[%swap3A_91, %swap3A_92] {strides = array<i32>} : memref<640x16xf32, #tpu.memory_space<vmem>>, vector<16xf32>,
        tpu.vector_store %arg7[%swap3A_91, %swap3A_92], %broadcast_in_dim3A_0 {strides = array<i32>} : memref<640x16xf32, #tpu.memory_space<vmem>>, vector<16xf32>,
        %swap3A_94 = arith.constant 5 : i32
        %swap3A_95 = arith.index_cast %swap3A_94 : i32 to index
        %swap3A_96 = arith.constant 0 : index
        %swap3A_97 = tpu.vector_load %arg7[%swap3A_95, %swap3A_96] {strides = array<i32>} : memref<640x16xf32, #tpu.memory_space<vmem>>, vector<16xf32>,
        tpu.vector_store %arg7[%swap3A_95, %swap3A_96], %broadcast_in_dim3A_0 {strides = array<i32>} : memref<640x16xf32, #tpu.memory_space<vmem>>, vector<16xf32>,
        %swap3A_98 = arith.constant 6 : i32
        %swap3A_99 = arith.index_cast %swap3A_98 : i32 to index
        %swap3A_100 = arith.constant 0 : index
        %swap3A_101 = tpu.vector_load %arg7[%swap3A_99, %swap3A_100] {strides = array<i32>} : memref<640x16xf32, #tpu.memory_space<vmem>>, vector<16xf32>,
        tpu.vector_store %arg7[%swap3A_99, %swap3A_100], %broadcast_in_dim3A_0 {strides = array<i32>} : memref<640x16xf32, #tpu.memory_space<vmem>>, vector<16xf32>,
        %swap3A_102 = arith.constant 7 : i32
        %swap3A_103 = arith.index_cast %swap3A_102 : i32 to index
        %swap3A_104 = arith.constant 0 : index
        %swap3A_105 = tpu.vector_load %arg7[%swap3A_103, %swap3A_104] {strides = array<i32>} : memref<640x16xf32, #tpu.memory_space<vmem>>, vector<16xf32>,
        tpu.vector_store %arg7[%swap3A_103, %swap3A_104], %broadcast_in_dim3A_0 {strides = array<i32>} : memref<640x16xf32, #tpu.memory_space<vmem>>, vector<16xf32>,
        %swap3A_106 = arith.constant 8 : i32
        %swap3A_107 = arith.index_cast %swap3A_106 : i32 to index
        %swap3A_108 = arith.constant 0 : index
        %swap3A_109 = tpu.vector_load %arg7[%swap3A_107, %swap3A_108] {strides = array<i32>} : memref<640x16xf32, #tpu.memory_space<vmem>>, vector<16xf32>,
        tpu.vector_store %arg7[%swap3A_107, %swap3A_108], %broadcast_in_dim3A_0 {strides = array<i32>} : memref<640x16xf32, #tpu.memory_space<vmem>>, vector<16xf32>,
        %swap3A_110 = arith.constant 9 : i32
        %swap3A_111 = arith.index_cast %swap3A_110 : i32 to index
        %swap3A_112 = arith.constant 0 : index
        %swap3A_113 = tpu.vector_load %arg7[%swap3A_111, %swap3A_112] {strides = array<i32>} : memref<640x16xf32, #tpu.memory_space<vmem>>, vector<16xf32>,
        tpu.vector_store %arg7[%swap3A_111, %swap3A_112], %broadcast_in_dim3A_0 {strides = array<i32>} : memref<640x16xf32, #tpu.memory_space<vmem>>, vector<16xf32>,
        %swap3A_114 = arith.constant 10 : i32
        %swap3A_115 = arith.index_cast %swap3A_114 : i32 to index
        %swap3A_116 = arith.constant 0 : index
        %swap3A_117 = tpu.vector_load %arg7[%swap3A_115, %swap3A_116] {strides = array<i32>} : memref<640x16xf32, #tpu.memory_space<vmem>>, vector<16xf32>,
        tpu.vector_store %arg7[%swap3A_115, %swap3A_116], %broadcast_in_dim3A_0 {strides = array<i32>} : memref<640x16xf32, #tpu.memory_space<vmem>>, vector<16xf32>,
        %swap3A_118 = arith.constant 11 : i32
        %swap3A_119 = arith.index_cast %swap3A_118 : i32 to index
        %swap3A_120 = arith.constant 0 : index
        %swap3A_121 = tpu.vector_load %arg7[%swap3A_119, %swap3A_120] {strides = array<i32>} : memref<640x16xf32, #tpu.memory_space<vmem>>, vector<16xf32>,
        tpu.vector_store %arg7[%swap3A_119, %swap3A_120], %broadcast_in_dim3A_0 {strides = array<i32>} : memref<640x16xf32, #tpu.memory_space<vmem>>, vector<16xf32>,
        %swap3A_122 = arith.constant 12 : i32
        %swap3A_123 = arith.index_cast %swap3A_122 : i32 to index
        %swap3A_124 = arith.constant 0 : index
        %swap3A_125 = tpu.vector_load %arg7[%swap3A_123, %swap3A_124] {strides = array<i32>} : memref<640x16xf32, #tpu.memory_space<vmem>>, vector<16xf32>,
        tpu.vector_store %arg7[%swap3A_123, %swap3A_124], %broadcast_in_dim3A_0 {strides = array<i32>} : memref<640x16xf32, #tpu.memory_space<vmem>>, vector<16xf32>,
        %swap3A_126 = arith.constant 13 : i32
        %swap3A_127 = arith.index_cast %swap3A_126 : i32 to index
        %swap3A_128 = arith.constant 0 : index
        %swap3A_129 = tpu.vector_load %arg7[%swap3A_127, %swap3A_128] {strides = array<i32>} : memref<640x16xf32, #tpu.memory_space<vmem>>, vector<16xf32>,
        tpu.vector_store %arg7[%swap3A_127, %swap3A_128], %broadcast_in_dim3A_0 {strides = array<i32>} : memref<640x16xf32, #tpu.memory_space<vmem>>, vector<16xf32>,
        %swap3A_130 = arith.constant 14 : i32
        %swap3A_131 = arith.index_cast %swap3A_130 : i32 to index
        %swap3A_132 = arith.constant 0 : index
        %swap3A_133 = tpu.vector_load %arg7[%swap3A_131, %swap3A_132] {strides = array<i32>} : memref<640x16xf32, #tpu.memory_space<vmem>>, vector<16xf32>,
        tpu.vector_store %arg7[%swap3A_131, %swap3A_132], %broadcast_in_dim3A_0 {strides = array<i32>} : memref<640x16xf32, #tpu.memory_space<vmem>>, vector<16xf32>,
        %swap3A_134 = arith.constant 15 : i32
        %swap3A_135 = arith.index_cast %swap3A_134 : i32 to index
        %swap3A_136 = arith.constant 0 : index
        %swap3A_137 = tpu.vector_load %arg7[%swap3A_135, %swap3A_136] {strides = array<i32>} : memref<640x16xf32, #tpu.memory_space<vmem>>, vector<16xf32>,
        tpu.vector_store %arg7[%swap3A_135, %swap3A_136], %broadcast_in_dim3A_0 {strides = array<i32>} : memref<640x16xf32, #tpu.memory_space<vmem>>, vector<16xf32>,
        %broadcast_in_dim3A_138 = arith.constant 0 : i32
        %broadcast_in_dim3A_139 = vector.broadcast %broadcast_in_dim3A_138 : i32 to vector<16xi32>
        %add3A_140 = arith.addi %broadcast_in_dim3A_139, %iota3A : vector<16xi32>
        tpu.vector_store_idx %arg7[%add3A_140, %and3A], %broadcast_in_dim3A_4 : memref<640x16xf32, #tpu.memory_space<vmem>>[vector<16xi32>, vector<16xi32>], vector<16xf32>,
        %swap3A_141 = arith.constant 0 : index
        %swap3A_142 = tpu.vector_load %arg13[%swap3A_141] {strides = array<i32>} : memref<16xi32, #tpu.memory_space<vmem>>, vector<16xi32>,
        tpu.vector_store %arg13[%swap3A_141], %shift_right_logical3A {strides = array<i32>} : memref<16xi32, #tpu.memory_space<vmem>>, vector<16xi32>,
        "tpu.region"() ({
          %run_scoped3A = tpu.sem_alloc : memref<!tpu.dma_semaphore, #tpu.memory_space<semaphore_mem>>
          %dma_start3A = arith.constant 0 : i32
          %dma_start3A_143 = arith.constant 0 : i32
          %dma_start3A_144 = tpu.memref_slice %arg7[%dma_start3A, %dma_start3A_143] : memref<640x16xf32, #tpu.memory_space<vmem>> -> memref<16x16xf32, #tpu.memory_space<vmem>>
          %dma_start3A_145 = arith.constant 0 : i32
          %dma_start3A_146 = arith.constant 0 : i32
          %dma_start3A_147 = tpu.memref_slice %arg5[%dma_start3A_145, %dma_start3A_146] : memref<102400x16xf32, #tpu.memory_space<vmem_shared>> -> memref<102400x16xf32, #tpu.memory_space<vmem_shared>>
          tpu.enqueue_indirect_dma source(%dma_start3A_144 : memref<16x16xf32, #tpu.memory_space<vmem>>) target(%dma_start3A_147 : memref<102400x16xf32, #tpu.memory_space<vmem_shared>>) offsets(%arg13 : memref<16xi32, #tpu.memory_space<vmem>>) semaphore(%run_scoped3A : memref<!tpu.dma_semaphore, #tpu.memory_space<semaphore_mem>>) {add = true}
          %dma_wait3A = arith.constant 0 : i32
          %dma_wait3A_148 = arith.constant 0 : i32
          %dma_wait3A_149 = tpu.memref_slice %arg7[%dma_wait3A, %dma_wait3A_148] : memref<640x16xf32, #tpu.memory_space<vmem>> -> memref<16x16xf32, #tpu.memory_space<vmem>>
          %dma_wait3A_150 = arith.constant 0 : i32
          %dma_wait3A_151 = arith.constant 0 : i32
          %dma_wait3A_152 = tpu.memref_slice %arg5[%dma_wait3A_150, %dma_wait3A_151] : memref<102400x16xf32, #tpu.memory_space<vmem_shared>> -> memref<102400x16xf32, #tpu.memory_space<vmem_shared>>
          tpu.wait_indirect_dma semaphore(%run_scoped3A : memref<!tpu.dma_semaphore, #tpu.memory_space<semaphore_mem>>) src(%dma_wait3A_149 : memref<16x16xf32, #tpu.memory_space<vmem>>) dst(%dma_wait3A_152 : memref<102400x16xf32, #tpu.memory_space<vmem_shared>>)
          tpu.yield
        }) : () -> ()
      } else {
      }
      %barrier3A_58 = arith.constant 0 : index
      tpu.barrier barrier_id(%barrier3A_58)
      %mul3A_59 = arith.constant 6400 : i32
      %mul3A_60 = arith.muli %arg1, %mul3A_59 : i32
      %mul3A_61 = arith.constant 6400 : i32
      %mul3A_62 = arith.muli %arg1, %mul3A_61 : i32
      "tpu.region"() ({
        %run_scoped3A = tpu.sem_alloc : memref<!tpu.dma_semaphore, #tpu.memory_space<semaphore_mem>>
        %dma_start3A = arith.constant 0 : i32
        %dma_start3A_64 = tpu.memref_slice %arg4[%add3A, %mul3A_62, %dma_start3A] : memref<8x102400x16xf32, #tpu.memory_space<hbm>> -> memref<1x6400x16xf32, #tpu.memory_space<hbm>>
        %dma_start3A_65 = tpu.memref_squeeze %dma_start3A_64 : memref<1x6400x16xf32, #tpu.memory_space<hbm>> -> memref<6400x16xf32, #tpu.memory_space<hbm>>
        %dma_start3A_66 = arith.constant 0 : i32
        %dma_start3A_67 = tpu.memref_slice %arg5[%mul3A_60, %dma_start3A_66] : memref<102400x16xf32, #tpu.memory_space<vmem_shared>> -> memref<6400x16xf32, #tpu.memory_space<vmem_shared>>
        tpu.enqueue_dma source(%dma_start3A_67 : memref<6400x16xf32, #tpu.memory_space<vmem_shared>>) target(%dma_start3A_65 : memref<6400x16xf32, #tpu.memory_space<hbm>>) target_semaphore(%run_scoped3A : memref<!tpu.dma_semaphore, #tpu.memory_space<semaphore_mem>>)
        %dma_wait3A = arith.constant 0 : i32
        %dma_wait3A_68 = tpu.memref_slice %arg4[%add3A, %mul3A_62, %dma_wait3A] : memref<8x102400x16xf32, #tpu.memory_space<hbm>> -> memref<1x6400x16xf32, #tpu.memory_space<hbm>>
        %dma_wait3A_69 = tpu.memref_squeeze %dma_wait3A_68 : memref<1x6400x16xf32, #tpu.memory_space<hbm>> -> memref<6400x16xf32, #tpu.memory_space<hbm>>
        %dma_wait3A_70 = arith.constant 0 : i32
        %dma_wait3A_71 = tpu.memref_slice %arg5[%mul3A_60, %dma_wait3A_70] : memref<102400x16xf32, #tpu.memory_space<vmem_shared>> -> memref<6400x16xf32, #tpu.memory_space<vmem_shared>>
        tpu.wait_dma2 semaphore(%run_scoped3A : memref<!tpu.dma_semaphore, #tpu.memory_space<semaphore_mem>>) src(%dma_wait3A_71 : memref<6400x16xf32, #tpu.memory_space<vmem_shared>>) dst(%dma_wait3A_69 : memref<6400x16xf32, #tpu.memory_space<hbm>>)
        tpu.yield
      }) : () -> ()
      %barrier3A_63 = arith.constant 0 : index
      tpu.barrier barrier_id(%barrier3A_63)
    }
    %scan3A_33 = arith.constant 4 : i32
    return
  }
}

module attributes {stable_mosaic.version = 14 : i64} {
  func.func @_deg_body(%arg0: i32, %arg1: i32, %arg2: memref<1x1280x1280xf32, #tpu.memory_space<vmem>>, %arg3: memref<1x1280x1xf32, #tpu.memory_space<vmem>>, %arg4: memref<1x1280x1280xbf16, #tpu.memory_space<vmem>>) attributes {dimension_semantics = [#tpu.dimension_semantics<arbitrary>, #tpu.dimension_semantics<arbitrary>], iteration_bounds = array<i64: 8, 1>, scalar_prefetch = 0 : i64, scratch_operands = 0 : i64, tpu.core_type = #tpu.core_type<tc>, window_params = [{transform_indices = @transform_0, window_bounds = array<i64: 1, 1280, 1280>}, {transform_indices = @transform_1, window_bounds = array<i64: 1, 1280, 1>}, {transform_indices = @transform_2, window_bounds = array<i64: 1, 1280, 1280>}]} {
    %get3A = arith.constant 0 : index
    %get3A_0 = arith.constant 0 : index
    %get3A_1 = arith.constant 0 : index
    %get3A_2 = vector.load %arg2[%get3A, %get3A_0, %get3A_1] : memref<1x1280x1280xf32, #tpu.memory_space<vmem>>, vector<1x1280x1280xf32>
    %get3A_3 = vector.shape_cast %get3A_2 : vector<1x1280x1280xf32> to vector<1280x1280xf32>
    %reduce_sum3A = arith.constant dense<0.000000e+00> : vector<1280xf32>
    %reduce_sum3A_4 = vector.multi_reduction <add>, %get3A_3, %reduce_sum3A [1] : vector<1280x1280xf32> to vector<1280xf32>
    %broadcast_in_dim3A = vector.shape_cast %reduce_sum3A_4 : vector<1280xf32> to vector<1280x1xf32>
    %swap3A = arith.constant 0 : index
    %swap3A_5 = arith.constant 0 : index
    %swap3A_6 = arith.constant 0 : index
    %swap3A_7 = vector.load %arg3[%swap3A, %swap3A_5, %swap3A_6] : memref<1x1280x1xf32, #tpu.memory_space<vmem>>, vector<1x1280x1xf32>
    %swap3A_8 = vector.shape_cast %swap3A_7 : vector<1x1280x1xf32> to vector<1280x1xf32>
    %swap3A_9 = vector.shape_cast %broadcast_in_dim3A : vector<1280x1xf32> to vector<1x1280x1xf32>
    tpu.vector_store %arg3[%swap3A, %swap3A_5, %swap3A_6], %swap3A_9 {strides = array<i32>} : memref<1x1280x1xf32, #tpu.memory_space<vmem>>, vector<1x1280x1xf32>,
    %convert_element_type3A = arith.truncf %get3A_3 : vector<1280x1280xf32> to vector<1280x1280xbf16>
    %swap3A_10 = arith.constant 0 : index
    %swap3A_11 = arith.constant 0 : index
    %swap3A_12 = arith.constant 0 : index
    %swap3A_13 = vector.load %arg4[%swap3A_10, %swap3A_11, %swap3A_12] : memref<1x1280x1280xbf16, #tpu.memory_space<vmem>>, vector<1x1280x1280xbf16>
    %swap3A_14 = vector.shape_cast %swap3A_13 : vector<1x1280x1280xbf16> to vector<1280x1280xbf16>
    %swap3A_15 = vector.shape_cast %convert_element_type3A : vector<1280x1280xbf16> to vector<1x1280x1280xbf16>
    tpu.vector_store %arg4[%swap3A_10, %swap3A_11, %swap3A_12], %swap3A_15 {strides = array<i32>} : memref<1x1280x1280xbf16, #tpu.memory_space<vmem>>, vector<1x1280x1280xbf16>,
    return
  }
  func.func @transform_0(%arg0: i32, %arg1: i32) -> (i32, i32, i32) {
    %c0_i32 = arith.constant 0 : i32
    %c0_i32_0 = arith.constant 0 : i32
    return %arg0, %arg1, %c0_i32 : i32, i32, i32
  }
  func.func @transform_1(%arg0: i32, %arg1: i32) -> (i32, i32, i32) {
    %c0_i32 = arith.constant 0 : i32
    %c0_i32_0 = arith.constant 0 : i32
    return %arg0, %arg1, %c0_i32 : i32, i32, i32
  }
  func.func @transform_2(%arg0: i32, %arg1: i32) -> (i32, i32, i32) {
    %c0_i32 = arith.constant 0 : i32
    %c0_i32_0 = arith.constant 0 : i32
    return %arg0, %arg1, %c0_i32 : i32, i32, i32
  }
}

module attributes {stable_mosaic.version = 14 : i64} {
  func.func @_prep_body(%arg0: i32, %arg1: i32, %arg2: memref<1x1280x128xf32, #tpu.memory_space<vmem>>, %arg3: memref<128x128xf32, #tpu.memory_space<vmem>>, %arg4: memref<1x128xf32, #tpu.memory_space<vmem>>, %arg5: memref<1x1280x1xf32, #tpu.memory_space<vmem>>, %arg6: memref<1x1280x128xf32, #tpu.memory_space<vmem>>) attributes {dimension_semantics = [#tpu.dimension_semantics<arbitrary>, #tpu.dimension_semantics<arbitrary>], iteration_bounds = array<i64: 8, 1>, scalar_prefetch = 0 : i64, scratch_operands = 0 : i64, tpu.core_type = #tpu.core_type<tc>, window_params = [{transform_indices = @transform_0, window_bounds = array<i64: 1, 1280, 128>}, {pipeline_mode = #tpu.pipeline_mode<synchronous>, transform_indices = @transform_1, window_bounds = array<i64: 128, 128>}, {pipeline_mode = #tpu.pipeline_mode<synchronous>, transform_indices = @transform_2, window_bounds = array<i64: 1, 128>}, {transform_indices = @transform_3, window_bounds = array<i64: 1, 1280, 1>}, {transform_indices = @transform_4, window_bounds = array<i64: 1, 1280, 128>}]} {
    %get3A = arith.constant 0 : index
    %get3A_0 = arith.constant 0 : index
    %get3A_1 = arith.constant 0 : index
    %get3A_2 = vector.load %arg2[%get3A, %get3A_0, %get3A_1] : memref<1x1280x128xf32, #tpu.memory_space<vmem>>, vector<1x1280x128xf32>
    %get3A_3 = vector.shape_cast %get3A_2 : vector<1x1280x128xf32> to vector<1280x128xf32>
    %get3A_4 = arith.constant 0 : index
    %get3A_5 = arith.constant 0 : index
    %get3A_6 = vector.load %arg3[%get3A_4, %get3A_5] : memref<128x128xf32, #tpu.memory_space<vmem>>, vector<128x128xf32>
    %dot_general3A = arith.constant dense<0.000000e+00> : vector<1280x128xf32>
    %dot_general3A_7 = tpu.matmul %get3A_3, %get3A_6, %dot_general3A {dimension_numbers = #tpu.dot_dimension_numbers<[1], [0], [0], [1], [0, 0, 1, 1], [], []>, transpose_lhs_hint = false} : vector<1280x128xf32>, vector<128x128xf32>, vector<1280x128xf32> -> vector<1280x128xf32>
    %get3A_8 = arith.constant 0 : index
    %get3A_9 = arith.constant 0 : index
    %get3A_10 = vector.load %arg4[%get3A_8, %get3A_9] : memref<1x128xf32, #tpu.memory_space<vmem>>, vector<1x128xf32>
    %get3A_11 = vector.shape_cast %get3A_10 : vector<1x128xf32> to vector<128xf32>
    %broadcast_in_dim3A = vector.shape_cast %get3A_11 : vector<128xf32> to vector<1x128xf32>
    %add3A = vector.broadcast %broadcast_in_dim3A : vector<1x128xf32> to vector<1280x128xf32>
    %add3A_12 = arith.addf %dot_general3A_7, %add3A : vector<1280x128xf32>
    %get3A_13 = arith.constant 0 : index
    %get3A_14 = arith.constant 0 : index
    %get3A_15 = arith.constant 0 : index
    %get3A_16 = vector.load %arg5[%get3A_13, %get3A_14, %get3A_15] : memref<1x1280x1xf32, #tpu.memory_space<vmem>>, vector<1x1280x1xf32>
    %get3A_17 = vector.shape_cast %get3A_16 : vector<1x1280x1xf32> to vector<1280x1xf32>
    %mul3A = vector.broadcast %get3A_17 : vector<1280x1xf32> to vector<1280x128xf32>
    %mul3A_18 = arith.mulf %mul3A, %add3A_12 : vector<1280x128xf32>
    %swap3A = arith.constant 0 : index
    %swap3A_19 = arith.constant 0 : index
    %swap3A_20 = arith.constant 0 : index
    %swap3A_21 = vector.load %arg6[%swap3A, %swap3A_19, %swap3A_20] : memref<1x1280x128xf32, #tpu.memory_space<vmem>>, vector<1x1280x128xf32>
    %swap3A_22 = vector.shape_cast %swap3A_21 : vector<1x1280x128xf32> to vector<1280x128xf32>
    %swap3A_23 = vector.shape_cast %mul3A_18 : vector<1280x128xf32> to vector<1x1280x128xf32>
    tpu.vector_store %arg6[%swap3A, %swap3A_19, %swap3A_20], %swap3A_23 {strides = array<i32>} : memref<1x1280x128xf32, #tpu.memory_space<vmem>>, vector<1x1280x128xf32>,
    return
  }
  func.func @transform_0(%arg0: i32, %arg1: i32) -> (i32, i32, i32) {
    %c0_i32 = arith.constant 0 : i32
    %c0_i32_0 = arith.constant 0 : i32
    return %arg0, %arg1, %c0_i32 : i32, i32, i32
  }
  func.func @transform_1(%arg0: i32, %arg1: i32) -> (i32, i32) {
    %c0_i32 = arith.constant 0 : i32
    %c0_i32_0 = arith.constant 0 : i32
    %c0_i32_1 = arith.constant 0 : i32
    return %c0_i32, %c0_i32_0 : i32, i32
  }
  func.func @transform_2(%arg0: i32, %arg1: i32) -> (i32, i32) {
    %c0_i32 = arith.constant 0 : i32
    %c0_i32_0 = arith.constant 0 : i32
    %c0_i32_1 = arith.constant 0 : i32
    return %c0_i32, %c0_i32_0 : i32, i32
  }
  func.func @transform_3(%arg0: i32, %arg1: i32) -> (i32, i32, i32) {
    %c0_i32 = arith.constant 0 : i32
    %c0_i32_0 = arith.constant 0 : i32
    return %arg0, %arg1, %c0_i32 : i32, i32, i32
  }
  func.func @transform_4(%arg0: i32, %arg1: i32) -> (i32, i32, i32) {
    %c0_i32 = arith.constant 0 : i32
    %c0_i32_0 = arith.constant 0 : i32
    return %arg0, %arg1, %c0_i32 : i32, i32, i32
  }
}

module attributes {stable_mosaic.version = 14 : i64} {
  func.func @_conv_body(%arg0: i32, %arg1: i32, %arg2: memref<1x1280x1280xbf16, #tpu.memory_space<vmem>>, %arg3: memref<1x1280x128xf32, #tpu.memory_space<vmem>>, %arg4: memref<1x1280x128xf32, #tpu.memory_space<vmem>>, %arg5: memref<1x1280x1xf32, #tpu.memory_space<vmem>>, %arg6: memref<1x128xf32, #tpu.memory_space<vmem>>, %arg7: memref<1x1280x128xf32, #tpu.memory_space<vmem>>, %arg8: memref<2x128xf32, #tpu.memory_space<vmem>>) attributes {dimension_semantics = [#tpu.dimension_semantics<arbitrary>, #tpu.dimension_semantics<arbitrary>], iteration_bounds = array<i64: 8, 1>, scalar_prefetch = 0 : i64, scratch_operands = 0 : i64, tpu.core_type = #tpu.core_type<tc>, window_params = [{transform_indices = @transform_0, window_bounds = array<i64: 1, 1280, 1280>}, {transform_indices = @transform_1, window_bounds = array<i64: 1, 1280, 128>}, {transform_indices = @transform_2, window_bounds = array<i64: 1, 1280, 128>}, {transform_indices = @transform_3, window_bounds = array<i64: 1, 1280, 1>}, {pipeline_mode = #tpu.pipeline_mode<synchronous>, transform_indices = @transform_4, window_bounds = array<i64: 1, 128>}, {transform_indices = @transform_5, window_bounds = array<i64: 1, 1280, 128>}, {pipeline_mode = #tpu.pipeline_mode<synchronous>, transform_indices = @transform_6, window_bounds = array<i64: 2, 128>}]} {
    %get3A = arith.constant 0 : index
    %get3A_0 = arith.constant 0 : index
    %get3A_1 = arith.constant 0 : index
    %get3A_2 = vector.load %arg2[%get3A, %get3A_0, %get3A_1] : memref<1x1280x1280xbf16, #tpu.memory_space<vmem>>, vector<1x1280x1280xbf16>
    %get3A_3 = vector.shape_cast %get3A_2 : vector<1x1280x1280xbf16> to vector<1280x1280xbf16>
    %convert_element_type3A = arith.extf %get3A_3 : vector<1280x1280xbf16> to vector<1280x1280xf32>
    %get3A_4 = arith.constant 0 : index
    %get3A_5 = arith.constant 0 : index
    %get3A_6 = arith.constant 0 : index
    %get3A_7 = vector.load %arg3[%get3A_4, %get3A_5, %get3A_6] : memref<1x1280x128xf32, #tpu.memory_space<vmem>>, vector<1x1280x128xf32>
    %get3A_8 = vector.shape_cast %get3A_7 : vector<1x1280x128xf32> to vector<1280x128xf32>
    %dot_general3A = arith.constant dense<0.000000e+00> : vector<1280x128xf32>
    %dot_general3A_9 = tpu.matmul %convert_element_type3A, %get3A_8, %dot_general3A {dimension_numbers = #tpu.dot_dimension_numbers<[1], [0], [0], [1], [0, 0, 1, 1], [], []>, transpose_lhs_hint = false} : vector<1280x1280xf32>, vector<1280x128xf32>, vector<1280x128xf32> -> vector<1280x128xf32>
    %get3A_10 = arith.constant 0 : index
    %get3A_11 = arith.constant 0 : index
    %get3A_12 = arith.constant 0 : index
    %get3A_13 = vector.load %arg5[%get3A_10, %get3A_11, %get3A_12] : memref<1x1280x1xf32, #tpu.memory_space<vmem>>, vector<1x1280x1xf32>
    %get3A_14 = vector.shape_cast %get3A_13 : vector<1x1280x1xf32> to vector<1280x1xf32>
    %get3A_15 = arith.constant 0 : index
    %get3A_16 = arith.constant 0 : index
    %get3A_17 = arith.constant 0 : index
    %get3A_18 = vector.load %arg4[%get3A_15, %get3A_16, %get3A_17] : memref<1x1280x128xf32, #tpu.memory_space<vmem>>, vector<1x1280x128xf32>
    %get3A_19 = vector.shape_cast %get3A_18 : vector<1x1280x128xf32> to vector<1280x128xf32>
    %add3A = arith.addf %dot_general3A_9, %get3A_19 : vector<1280x128xf32>
    %mul3A = vector.broadcast %get3A_14 : vector<1280x1xf32> to vector<1280x128xf32>
    %mul3A_20 = arith.mulf %mul3A, %add3A : vector<1280x128xf32>
    %get3A_21 = arith.constant 0 : index
    %get3A_22 = arith.constant 0 : index
    %get3A_23 = vector.load %arg6[%get3A_21, %get3A_22] : memref<1x128xf32, #tpu.memory_space<vmem>>, vector<1x128xf32>
    %get3A_24 = vector.shape_cast %get3A_23 : vector<1x128xf32> to vector<128xf32>
    %broadcast_in_dim3A = vector.shape_cast %get3A_24 : vector<128xf32> to vector<1x128xf32>
    %add3A_25 = vector.broadcast %broadcast_in_dim3A : vector<1x128xf32> to vector<1280x128xf32>
    %add3A_26 = arith.addf %mul3A_20, %add3A_25 : vector<1280x128xf32>
    %iota3A = tpu.iota {dimensions = array<i32: 0>} : vector<1280x1xi32>
    %mul3A_27 = arith.constant 1280 : i32
    %mul3A_28 = arith.muli %arg1, %mul3A_27 : i32
    %add3A_29 = vector.broadcast %mul3A_28 : i32 to vector<1280x1xi32>
    %add3A_30 = arith.addi %iota3A, %add3A_29 : vector<1280x1xi32>
    %lt3A = arith.constant 1250 : i32
    %lt3A_31 = vector.broadcast %lt3A : i32 to vector<1280x1xi32>
    %lt3A_32 = arith.cmpi slt, %add3A_30, %lt3A_31 : vector<1280x1xi32>
    %max3A = arith.constant 0.000000e+00 : f32
    %max3A_33 = vector.broadcast %max3A : f32 to vector<1280x128xf32>
    %max3A_34 = arith.maximumf %add3A_26, %max3A_33 : vector<1280x128xf32>
    %jit3A = arith.constant 0.000000e+00 : f32
    %broadcast_in_dim3A_35 = vector.shape_cast %lt3A_32 : vector<1280x1xi1> to vector<1280x1xi1>
    %broadcast_in_dim3A_36 = vector.broadcast %broadcast_in_dim3A_35 : vector<1280x1xi1> to vector<1280x128xi1>
    %broadcast_in_dim3A_37 = vector.broadcast %jit3A : f32 to vector<1280x128xf32>
    %select_n3A = arith.select %broadcast_in_dim3A_36, %max3A_34, %broadcast_in_dim3A_37 : vector<1280x128xi1>, vector<1280x128xf32>
    %swap3A = arith.constant 0 : index
    %swap3A_38 = arith.constant 0 : index
    %swap3A_39 = arith.constant 0 : index
    %swap3A_40 = vector.load %arg7[%swap3A, %swap3A_38, %swap3A_39] : memref<1x1280x128xf32, #tpu.memory_space<vmem>>, vector<1x1280x128xf32>
    %swap3A_41 = vector.shape_cast %swap3A_40 : vector<1x1280x128xf32> to vector<1280x128xf32>
    %swap3A_42 = vector.shape_cast %select_n3A : vector<1280x128xf32> to vector<1x1280x128xf32>
    tpu.vector_store %arg7[%swap3A, %swap3A_38, %swap3A_39], %swap3A_42 {strides = array<i32>} : memref<1x1280x128xf32, #tpu.memory_space<vmem>>, vector<1x1280x128xf32>,
    %eq3A = arith.constant 0 : i32
    %eq3A_43 = arith.cmpi eq, %arg0, %eq3A : i32
    %eq3A_44 = arith.constant 0 : i32
    %eq3A_45 = arith.cmpi eq, %arg1, %eq3A_44 : i32
    %and3A = arith.andi %eq3A_43, %eq3A_45 : i1
    %convert_element_type3A_46 = arith.extui %and3A : i1 to i32
    %cond3A = arith.constant 0 : i32
    %cond3A_47 = arith.cmpi ne, %convert_element_type3A_46, %cond3A : i32
    scf.if %cond3A_47 {
      %broadcast_in_dim3A_61 = arith.constant 0.000000e+00 : f32
      %broadcast_in_dim3A_62 = vector.broadcast %broadcast_in_dim3A_61 : f32 to vector<2x128xf32>
      %swap3A_63 = arith.constant 0 : index
      %swap3A_64 = arith.constant 0 : index
      %swap3A_65 = vector.load %arg8[%swap3A_63, %swap3A_64] : memref<2x128xf32, #tpu.memory_space<vmem>>, vector<2x128xf32>
      tpu.vector_store %arg8[%swap3A_63, %swap3A_64], %broadcast_in_dim3A_62 {strides = array<i32>} : memref<2x128xf32, #tpu.memory_space<vmem>>, vector<2x128xf32>,
    } else {
    }
    %reduce_sum3A = arith.constant dense<0.000000e+00> : vector<128xf32>
    %reduce_sum3A_48 = vector.multi_reduction <add>, %select_n3A, %reduce_sum3A [0] : vector<1280x128xf32> to vector<128xf32>
    %mul3A_49 = arith.mulf %select_n3A, %select_n3A : vector<1280x128xf32>
    %reduce_sum3A_50 = arith.constant dense<0.000000e+00> : vector<128xf32>
    %reduce_sum3A_51 = vector.multi_reduction <add>, %mul3A_49, %reduce_sum3A_50 [0] : vector<1280x128xf32> to vector<128xf32>
    %stack3A = vector.shape_cast %reduce_sum3A_48 : vector<128xf32> to vector<1x128xf32>
    %stack3A_52 = vector.shape_cast %reduce_sum3A_51 : vector<128xf32> to vector<1x128xf32>
    %stack3A_53 = tpu.concatenate %stack3A, %stack3A_52 in 0 : vector<1x128xf32>, vector<1x128xf32> -> vector<2x128xf32>
    %get3A_54 = arith.constant 0 : index
    %get3A_55 = arith.constant 0 : index
    %get3A_56 = vector.load %arg8[%get3A_54, %get3A_55] : memref<2x128xf32, #tpu.memory_space<vmem>>, vector<2x128xf32>
    %add3A_57 = arith.addf %get3A_56, %stack3A_53 : vector<2x128xf32>
    %swap3A_58 = arith.constant 0 : index
    %swap3A_59 = arith.constant 0 : index
    %swap3A_60 = vector.load %arg8[%swap3A_58, %swap3A_59] : memref<2x128xf32, #tpu.memory_space<vmem>>, vector<2x128xf32>
    tpu.vector_store %arg8[%swap3A_58, %swap3A_59], %add3A_57 {strides = array<i32>} : memref<2x128xf32, #tpu.memory_space<vmem>>, vector<2x128xf32>,
    return
  }
  func.func @transform_0(%arg0: i32, %arg1: i32) -> (i32, i32, i32) {
    %c0_i32 = arith.constant 0 : i32
    %c0_i32_0 = arith.constant 0 : i32
    return %arg0, %arg1, %c0_i32 : i32, i32, i32
  }
  func.func @transform_1(%arg0: i32, %arg1: i32) -> (i32, i32, i32) {
    %c0_i32 = arith.constant 0 : i32
    %c0_i32_0 = arith.constant 0 : i32
    %c0_i32_1 = arith.constant 0 : i32
    return %arg0, %c0_i32, %c0_i32_0 : i32, i32, i32
  }
  func.func @transform_2(%arg0: i32, %arg1: i32) -> (i32, i32, i32) {
    %c0_i32 = arith.constant 0 : i32
    %c0_i32_0 = arith.constant 0 : i32
    return %arg0, %arg1, %c0_i32 : i32, i32, i32
  }
  func.func @transform_3(%arg0: i32, %arg1: i32) -> (i32, i32, i32) {
    %c0_i32 = arith.constant 0 : i32
    %c0_i32_0 = arith.constant 0 : i32
    return %arg0, %arg1, %c0_i32 : i32, i32, i32
  }
  func.func @transform_4(%arg0: i32, %arg1: i32) -> (i32, i32) {
    %c0_i32 = arith.constant 0 : i32
    %c0_i32_0 = arith.constant 0 : i32
    %c0_i32_1 = arith.constant 0 : i32
    return %c0_i32, %c0_i32_0 : i32, i32
  }
  func.func @transform_5(%arg0: i32, %arg1: i32) -> (i32, i32, i32) {
    %c0_i32 = arith.constant 0 : i32
    %c0_i32_0 = arith.constant 0 : i32
    return %arg0, %arg1, %c0_i32 : i32, i32, i32
  }
  func.func @transform_6(%arg0: i32, %arg1: i32) -> (i32, i32) {
    %c0_i32 = arith.constant 0 : i32
    %c0_i32_0 = arith.constant 0 : i32
    %c0_i32_1 = arith.constant 0 : i32
    return %c0_i32, %c0_i32_0 : i32, i32
  }
}

module attributes {stable_mosaic.version = 14 : i64} {
  func.func @_prep_body(%arg0: i32, %arg1: i32, %arg2: memref<1x1280x128xf32, #tpu.memory_space<vmem>>, %arg3: memref<128x64xf32, #tpu.memory_space<vmem>>, %arg4: memref<1x64xf32, #tpu.memory_space<vmem>>, %arg5: memref<1x1280x1xf32, #tpu.memory_space<vmem>>, %arg6: memref<1x1280x64xf32, #tpu.memory_space<vmem>>) attributes {dimension_semantics = [#tpu.dimension_semantics<arbitrary>, #tpu.dimension_semantics<arbitrary>], iteration_bounds = array<i64: 8, 1>, scalar_prefetch = 0 : i64, scratch_operands = 0 : i64, tpu.core_type = #tpu.core_type<tc>, window_params = [{transform_indices = @transform_0, window_bounds = array<i64: 1, 1280, 128>}, {pipeline_mode = #tpu.pipeline_mode<synchronous>, transform_indices = @transform_1, window_bounds = array<i64: 128, 64>}, {pipeline_mode = #tpu.pipeline_mode<synchronous>, transform_indices = @transform_2, window_bounds = array<i64: 1, 64>}, {transform_indices = @transform_3, window_bounds = array<i64: 1, 1280, 1>}, {transform_indices = @transform_4, window_bounds = array<i64: 1, 1280, 64>}]} {
    %get3A = arith.constant 0 : index
    %get3A_0 = arith.constant 0 : index
    %get3A_1 = arith.constant 0 : index
    %get3A_2 = vector.load %arg2[%get3A, %get3A_0, %get3A_1] : memref<1x1280x128xf32, #tpu.memory_space<vmem>>, vector<1x1280x128xf32>
    %get3A_3 = vector.shape_cast %get3A_2 : vector<1x1280x128xf32> to vector<1280x128xf32>
    %get3A_4 = arith.constant 0 : index
    %get3A_5 = arith.constant 0 : index
    %get3A_6 = vector.load %arg3[%get3A_4, %get3A_5] : memref<128x64xf32, #tpu.memory_space<vmem>>, vector<128x64xf32>
    %dot_general3A = arith.constant dense<0.000000e+00> : vector<1280x64xf32>
    %dot_general3A_7 = tpu.matmul %get3A_3, %get3A_6, %dot_general3A {dimension_numbers = #tpu.dot_dimension_numbers<[1], [0], [0], [1], [0, 0, 1, 1], [], []>, transpose_lhs_hint = false} : vector<1280x128xf32>, vector<128x64xf32>, vector<1280x64xf32> -> vector<1280x64xf32>
    %get3A_8 = arith.constant 0 : index
    %get3A_9 = arith.constant 0 : index
    %get3A_10 = vector.load %arg4[%get3A_8, %get3A_9] : memref<1x64xf32, #tpu.memory_space<vmem>>, vector<1x64xf32>
    %get3A_11 = vector.shape_cast %get3A_10 : vector<1x64xf32> to vector<64xf32>
    %broadcast_in_dim3A = vector.shape_cast %get3A_11 : vector<64xf32> to vector<1x64xf32>
    %add3A = vector.broadcast %broadcast_in_dim3A : vector<1x64xf32> to vector<1280x64xf32>
    %add3A_12 = arith.addf %dot_general3A_7, %add3A : vector<1280x64xf32>
    %get3A_13 = arith.constant 0 : index
    %get3A_14 = arith.constant 0 : index
    %get3A_15 = arith.constant 0 : index
    %get3A_16 = vector.load %arg5[%get3A_13, %get3A_14, %get3A_15] : memref<1x1280x1xf32, #tpu.memory_space<vmem>>, vector<1x1280x1xf32>
    %get3A_17 = vector.shape_cast %get3A_16 : vector<1x1280x1xf32> to vector<1280x1xf32>
    %mul3A = vector.broadcast %get3A_17 : vector<1280x1xf32> to vector<1280x64xf32>
    %mul3A_18 = arith.mulf %mul3A, %add3A_12 : vector<1280x64xf32>
    %swap3A = arith.constant 0 : index
    %swap3A_19 = arith.constant 0 : index
    %swap3A_20 = arith.constant 0 : index
    %swap3A_21 = vector.load %arg6[%swap3A, %swap3A_19, %swap3A_20] : memref<1x1280x64xf32, #tpu.memory_space<vmem>>, vector<1x1280x64xf32>
    %swap3A_22 = vector.shape_cast %swap3A_21 : vector<1x1280x64xf32> to vector<1280x64xf32>
    %swap3A_23 = vector.shape_cast %mul3A_18 : vector<1280x64xf32> to vector<1x1280x64xf32>
    tpu.vector_store %arg6[%swap3A, %swap3A_19, %swap3A_20], %swap3A_23 {strides = array<i32>} : memref<1x1280x64xf32, #tpu.memory_space<vmem>>, vector<1x1280x64xf32>,
    return
  }
  func.func @transform_0(%arg0: i32, %arg1: i32) -> (i32, i32, i32) {
    %c0_i32 = arith.constant 0 : i32
    %c0_i32_0 = arith.constant 0 : i32
    return %arg0, %arg1, %c0_i32 : i32, i32, i32
  }
  func.func @transform_1(%arg0: i32, %arg1: i32) -> (i32, i32) {
    %c0_i32 = arith.constant 0 : i32
    %c0_i32_0 = arith.constant 0 : i32
    %c0_i32_1 = arith.constant 0 : i32
    return %c0_i32, %c0_i32_0 : i32, i32
  }
  func.func @transform_2(%arg0: i32, %arg1: i32) -> (i32, i32) {
    %c0_i32 = arith.constant 0 : i32
    %c0_i32_0 = arith.constant 0 : i32
    %c0_i32_1 = arith.constant 0 : i32
    return %c0_i32, %c0_i32_0 : i32, i32
  }
  func.func @transform_3(%arg0: i32, %arg1: i32) -> (i32, i32, i32) {
    %c0_i32 = arith.constant 0 : i32
    %c0_i32_0 = arith.constant 0 : i32
    return %arg0, %arg1, %c0_i32 : i32, i32, i32
  }
  func.func @transform_4(%arg0: i32, %arg1: i32) -> (i32, i32, i32) {
    %c0_i32 = arith.constant 0 : i32
    %c0_i32_0 = arith.constant 0 : i32
    return %arg0, %arg1, %c0_i32 : i32, i32, i32
  }
}

module attributes {stable_mosaic.version = 14 : i64} {
  func.func @_conv_body(%arg0: i32, %arg1: i32, %arg2: memref<1x1280x1280xbf16, #tpu.memory_space<vmem>>, %arg3: memref<1x1280x64xf32, #tpu.memory_space<vmem>>, %arg4: memref<1x1280x64xf32, #tpu.memory_space<vmem>>, %arg5: memref<1x1280x1xf32, #tpu.memory_space<vmem>>, %arg6: memref<1x64xf32, #tpu.memory_space<vmem>>, %arg7: memref<1x1280x64xf32, #tpu.memory_space<vmem>>, %arg8: memref<2x64xf32, #tpu.memory_space<vmem>>) attributes {dimension_semantics = [#tpu.dimension_semantics<arbitrary>, #tpu.dimension_semantics<arbitrary>], iteration_bounds = array<i64: 8, 1>, scalar_prefetch = 0 : i64, scratch_operands = 0 : i64, tpu.core_type = #tpu.core_type<tc>, window_params = [{transform_indices = @transform_0, window_bounds = array<i64: 1, 1280, 1280>}, {transform_indices = @transform_1, window_bounds = array<i64: 1, 1280, 64>}, {transform_indices = @transform_2, window_bounds = array<i64: 1, 1280, 64>}, {transform_indices = @transform_3, window_bounds = array<i64: 1, 1280, 1>}, {pipeline_mode = #tpu.pipeline_mode<synchronous>, transform_indices = @transform_4, window_bounds = array<i64: 1, 64>}, {transform_indices = @transform_5, window_bounds = array<i64: 1, 1280, 64>}, {pipeline_mode = #tpu.pipeline_mode<synchronous>, transform_indices = @transform_6, window_bounds = array<i64: 2, 64>}]} {
    %get3A = arith.constant 0 : index
    %get3A_0 = arith.constant 0 : index
    %get3A_1 = arith.constant 0 : index
    %get3A_2 = vector.load %arg2[%get3A, %get3A_0, %get3A_1] : memref<1x1280x1280xbf16, #tpu.memory_space<vmem>>, vector<1x1280x1280xbf16>
    %get3A_3 = vector.shape_cast %get3A_2 : vector<1x1280x1280xbf16> to vector<1280x1280xbf16>
    %convert_element_type3A = arith.extf %get3A_3 : vector<1280x1280xbf16> to vector<1280x1280xf32>
    %get3A_4 = arith.constant 0 : index
    %get3A_5 = arith.constant 0 : index
    %get3A_6 = arith.constant 0 : index
    %get3A_7 = vector.load %arg3[%get3A_4, %get3A_5, %get3A_6] : memref<1x1280x64xf32, #tpu.memory_space<vmem>>, vector<1x1280x64xf32>
    %get3A_8 = vector.shape_cast %get3A_7 : vector<1x1280x64xf32> to vector<1280x64xf32>
    %dot_general3A = arith.constant dense<0.000000e+00> : vector<1280x64xf32>
    %dot_general3A_9 = tpu.matmul %convert_element_type3A, %get3A_8, %dot_general3A {dimension_numbers = #tpu.dot_dimension_numbers<[1], [0], [0], [1], [0, 0, 1, 1], [], []>, transpose_lhs_hint = false} : vector<1280x1280xf32>, vector<1280x64xf32>, vector<1280x64xf32> -> vector<1280x64xf32>
    %get3A_10 = arith.constant 0 : index
    %get3A_11 = arith.constant 0 : index
    %get3A_12 = arith.constant 0 : index
    %get3A_13 = vector.load %arg5[%get3A_10, %get3A_11, %get3A_12] : memref<1x1280x1xf32, #tpu.memory_space<vmem>>, vector<1x1280x1xf32>
    %get3A_14 = vector.shape_cast %get3A_13 : vector<1x1280x1xf32> to vector<1280x1xf32>
    %get3A_15 = arith.constant 0 : index
    %get3A_16 = arith.constant 0 : index
    %get3A_17 = arith.constant 0 : index
    %get3A_18 = vector.load %arg4[%get3A_15, %get3A_16, %get3A_17] : memref<1x1280x64xf32, #tpu.memory_space<vmem>>, vector<1x1280x64xf32>
    %get3A_19 = vector.shape_cast %get3A_18 : vector<1x1280x64xf32> to vector<1280x64xf32>
    %add3A = arith.addf %dot_general3A_9, %get3A_19 : vector<1280x64xf32>
    %mul3A = vector.broadcast %get3A_14 : vector<1280x1xf32> to vector<1280x64xf32>
    %mul3A_20 = arith.mulf %mul3A, %add3A : vector<1280x64xf32>
    %get3A_21 = arith.constant 0 : index
    %get3A_22 = arith.constant 0 : index
    %get3A_23 = vector.load %arg6[%get3A_21, %get3A_22] : memref<1x64xf32, #tpu.memory_space<vmem>>, vector<1x64xf32>
    %get3A_24 = vector.shape_cast %get3A_23 : vector<1x64xf32> to vector<64xf32>
    %broadcast_in_dim3A = vector.shape_cast %get3A_24 : vector<64xf32> to vector<1x64xf32>
    %add3A_25 = vector.broadcast %broadcast_in_dim3A : vector<1x64xf32> to vector<1280x64xf32>
    %add3A_26 = arith.addf %mul3A_20, %add3A_25 : vector<1280x64xf32>
    %iota3A = tpu.iota {dimensions = array<i32: 0>} : vector<1280x1xi32>
    %mul3A_27 = arith.constant 1280 : i32
    %mul3A_28 = arith.muli %arg1, %mul3A_27 : i32
    %add3A_29 = vector.broadcast %mul3A_28 : i32 to vector<1280x1xi32>
    %add3A_30 = arith.addi %iota3A, %add3A_29 : vector<1280x1xi32>
    %lt3A = arith.constant 1250 : i32
    %lt3A_31 = vector.broadcast %lt3A : i32 to vector<1280x1xi32>
    %lt3A_32 = arith.cmpi slt, %add3A_30, %lt3A_31 : vector<1280x1xi32>
    %max3A = arith.constant 0.000000e+00 : f32
    %max3A_33 = vector.broadcast %max3A : f32 to vector<1280x64xf32>
    %max3A_34 = arith.maximumf %add3A_26, %max3A_33 : vector<1280x64xf32>
    %jit3A = arith.constant 0.000000e+00 : f32
    %broadcast_in_dim3A_35 = vector.shape_cast %lt3A_32 : vector<1280x1xi1> to vector<1280x1xi1>
    %broadcast_in_dim3A_36 = vector.broadcast %broadcast_in_dim3A_35 : vector<1280x1xi1> to vector<1280x64xi1>
    %broadcast_in_dim3A_37 = vector.broadcast %jit3A : f32 to vector<1280x64xf32>
    %select_n3A = arith.select %broadcast_in_dim3A_36, %max3A_34, %broadcast_in_dim3A_37 : vector<1280x64xi1>, vector<1280x64xf32>
    %swap3A = arith.constant 0 : index
    %swap3A_38 = arith.constant 0 : index
    %swap3A_39 = arith.constant 0 : index
    %swap3A_40 = vector.load %arg7[%swap3A, %swap3A_38, %swap3A_39] : memref<1x1280x64xf32, #tpu.memory_space<vmem>>, vector<1x1280x64xf32>
    %swap3A_41 = vector.shape_cast %swap3A_40 : vector<1x1280x64xf32> to vector<1280x64xf32>
    %swap3A_42 = vector.shape_cast %select_n3A : vector<1280x64xf32> to vector<1x1280x64xf32>
    tpu.vector_store %arg7[%swap3A, %swap3A_38, %swap3A_39], %swap3A_42 {strides = array<i32>} : memref<1x1280x64xf32, #tpu.memory_space<vmem>>, vector<1x1280x64xf32>,
    %eq3A = arith.constant 0 : i32
    %eq3A_43 = arith.cmpi eq, %arg0, %eq3A : i32
    %eq3A_44 = arith.constant 0 : i32
    %eq3A_45 = arith.cmpi eq, %arg1, %eq3A_44 : i32
    %and3A = arith.andi %eq3A_43, %eq3A_45 : i1
    %convert_element_type3A_46 = arith.extui %and3A : i1 to i32
    %cond3A = arith.constant 0 : i32
    %cond3A_47 = arith.cmpi ne, %convert_element_type3A_46, %cond3A : i32
    scf.if %cond3A_47 {
      %broadcast_in_dim3A_61 = arith.constant 0.000000e+00 : f32
      %broadcast_in_dim3A_62 = vector.broadcast %broadcast_in_dim3A_61 : f32 to vector<2x64xf32>
      %swap3A_63 = arith.constant 0 : index
      %swap3A_64 = arith.constant 0 : index
      %swap3A_65 = vector.load %arg8[%swap3A_63, %swap3A_64] : memref<2x64xf32, #tpu.memory_space<vmem>>, vector<2x64xf32>
      tpu.vector_store %arg8[%swap3A_63, %swap3A_64], %broadcast_in_dim3A_62 {strides = array<i32>} : memref<2x64xf32, #tpu.memory_space<vmem>>, vector<2x64xf32>,
    } else {
    }
    %reduce_sum3A = arith.constant dense<0.000000e+00> : vector<64xf32>
    %reduce_sum3A_48 = vector.multi_reduction <add>, %select_n3A, %reduce_sum3A [0] : vector<1280x64xf32> to vector<64xf32>
    %mul3A_49 = arith.mulf %select_n3A, %select_n3A : vector<1280x64xf32>
    %reduce_sum3A_50 = arith.constant dense<0.000000e+00> : vector<64xf32>
    %reduce_sum3A_51 = vector.multi_reduction <add>, %mul3A_49, %reduce_sum3A_50 [0] : vector<1280x64xf32> to vector<64xf32>
    %stack3A = vector.shape_cast %reduce_sum3A_48 : vector<64xf32> to vector<1x64xf32>
    %stack3A_52 = vector.shape_cast %reduce_sum3A_51 : vector<64xf32> to vector<1x64xf32>
    %stack3A_53 = tpu.concatenate %stack3A, %stack3A_52 in 0 : vector<1x64xf32>, vector<1x64xf32> -> vector<2x64xf32>
    %get3A_54 = arith.constant 0 : index
    %get3A_55 = arith.constant 0 : index
    %get3A_56 = vector.load %arg8[%get3A_54, %get3A_55] : memref<2x64xf32, #tpu.memory_space<vmem>>, vector<2x64xf32>
    %add3A_57 = arith.addf %get3A_56, %stack3A_53 : vector<2x64xf32>
    %swap3A_58 = arith.constant 0 : index
    %swap3A_59 = arith.constant 0 : index
    %swap3A_60 = vector.load %arg8[%swap3A_58, %swap3A_59] : memref<2x64xf32, #tpu.memory_space<vmem>>, vector<2x64xf32>
    tpu.vector_store %arg8[%swap3A_58, %swap3A_59], %add3A_57 {strides = array<i32>} : memref<2x64xf32, #tpu.memory_space<vmem>>, vector<2x64xf32>,
    return
  }
  func.func @transform_0(%arg0: i32, %arg1: i32) -> (i32, i32, i32) {
    %c0_i32 = arith.constant 0 : i32
    %c0_i32_0 = arith.constant 0 : i32
    return %arg0, %arg1, %c0_i32 : i32, i32, i32
  }
  func.func @transform_1(%arg0: i32, %arg1: i32) -> (i32, i32, i32) {
    %c0_i32 = arith.constant 0 : i32
    %c0_i32_0 = arith.constant 0 : i32
    %c0_i32_1 = arith.constant 0 : i32
    return %arg0, %c0_i32, %c0_i32_0 : i32, i32, i32
  }
  func.func @transform_2(%arg0: i32, %arg1: i32) -> (i32, i32, i32) {
    %c0_i32 = arith.constant 0 : i32
    %c0_i32_0 = arith.constant 0 : i32
    return %arg0, %arg1, %c0_i32 : i32, i32, i32
  }
  func.func @transform_3(%arg0: i32, %arg1: i32) -> (i32, i32, i32) {
    %c0_i32 = arith.constant 0 : i32
    %c0_i32_0 = arith.constant 0 : i32
    return %arg0, %arg1, %c0_i32 : i32, i32, i32
  }
  func.func @transform_4(%arg0: i32, %arg1: i32) -> (i32, i32) {
    %c0_i32 = arith.constant 0 : i32
    %c0_i32_0 = arith.constant 0 : i32
    %c0_i32_1 = arith.constant 0 : i32
    return %c0_i32, %c0_i32_0 : i32, i32
  }
  func.func @transform_5(%arg0: i32, %arg1: i32) -> (i32, i32, i32) {
    %c0_i32 = arith.constant 0 : i32
    %c0_i32_0 = arith.constant 0 : i32
    return %arg0, %arg1, %c0_i32 : i32, i32, i32
  }
  func.func @transform_6(%arg0: i32, %arg1: i32) -> (i32, i32) {
    %c0_i32 = arith.constant 0 : i32
    %c0_i32_0 = arith.constant 0 : i32
    %c0_i32_1 = arith.constant 0 : i32
    return %c0_i32, %c0_i32_0 : i32, i32
  }
}

module attributes {stable_mosaic.version = 14 : i64} {
  func.func @_prep_body(%arg0: i32, %arg1: i32, %arg2: memref<1x1280x64xf32, #tpu.memory_space<vmem>>, %arg3: memref<64x64xf32, #tpu.memory_space<vmem>>, %arg4: memref<1x64xf32, #tpu.memory_space<vmem>>, %arg5: memref<1x1280x1xf32, #tpu.memory_space<vmem>>, %arg6: memref<1x1280x64xf32, #tpu.memory_space<vmem>>) attributes {dimension_semantics = [#tpu.dimension_semantics<arbitrary>, #tpu.dimension_semantics<arbitrary>], iteration_bounds = array<i64: 8, 1>, scalar_prefetch = 0 : i64, scratch_operands = 0 : i64, tpu.core_type = #tpu.core_type<tc>, window_params = [{transform_indices = @transform_0, window_bounds = array<i64: 1, 1280, 64>}, {pipeline_mode = #tpu.pipeline_mode<synchronous>, transform_indices = @transform_1, window_bounds = array<i64: 64, 64>}, {pipeline_mode = #tpu.pipeline_mode<synchronous>, transform_indices = @transform_2, window_bounds = array<i64: 1, 64>}, {transform_indices = @transform_3, window_bounds = array<i64: 1, 1280, 1>}, {transform_indices = @transform_4, window_bounds = array<i64: 1, 1280, 64>}]} {
    %get3A = arith.constant 0 : index
    %get3A_0 = arith.constant 0 : index
    %get3A_1 = arith.constant 0 : index
    %get3A_2 = vector.load %arg2[%get3A, %get3A_0, %get3A_1] : memref<1x1280x64xf32, #tpu.memory_space<vmem>>, vector<1x1280x64xf32>
    %get3A_3 = vector.shape_cast %get3A_2 : vector<1x1280x64xf32> to vector<1280x64xf32>
    %get3A_4 = arith.constant 0 : index
    %get3A_5 = arith.constant 0 : index
    %get3A_6 = vector.load %arg3[%get3A_4, %get3A_5] : memref<64x64xf32, #tpu.memory_space<vmem>>, vector<64x64xf32>
    %dot_general3A = arith.constant dense<0.000000e+00> : vector<1280x64xf32>
    %dot_general3A_7 = tpu.matmul %get3A_3, %get3A_6, %dot_general3A {dimension_numbers = #tpu.dot_dimension_numbers<[1], [0], [0], [1], [0, 0, 1, 1], [], []>, transpose_lhs_hint = false} : vector<1280x64xf32>, vector<64x64xf32>, vector<1280x64xf32> -> vector<1280x64xf32>
    %get3A_8 = arith.constant 0 : index
    %get3A_9 = arith.constant 0 : index
    %get3A_10 = vector.load %arg4[%get3A_8, %get3A_9] : memref<1x64xf32, #tpu.memory_space<vmem>>, vector<1x64xf32>
    %get3A_11 = vector.shape_cast %get3A_10 : vector<1x64xf32> to vector<64xf32>
    %broadcast_in_dim3A = vector.shape_cast %get3A_11 : vector<64xf32> to vector<1x64xf32>
    %add3A = vector.broadcast %broadcast_in_dim3A : vector<1x64xf32> to vector<1280x64xf32>
    %add3A_12 = arith.addf %dot_general3A_7, %add3A : vector<1280x64xf32>
    %get3A_13 = arith.constant 0 : index
    %get3A_14 = arith.constant 0 : index
    %get3A_15 = arith.constant 0 : index
    %get3A_16 = vector.load %arg5[%get3A_13, %get3A_14, %get3A_15] : memref<1x1280x1xf32, #tpu.memory_space<vmem>>, vector<1x1280x1xf32>
    %get3A_17 = vector.shape_cast %get3A_16 : vector<1x1280x1xf32> to vector<1280x1xf32>
    %mul3A = vector.broadcast %get3A_17 : vector<1280x1xf32> to vector<1280x64xf32>
    %mul3A_18 = arith.mulf %mul3A, %add3A_12 : vector<1280x64xf32>
    %swap3A = arith.constant 0 : index
    %swap3A_19 = arith.constant 0 : index
    %swap3A_20 = arith.constant 0 : index
    %swap3A_21 = vector.load %arg6[%swap3A, %swap3A_19, %swap3A_20] : memref<1x1280x64xf32, #tpu.memory_space<vmem>>, vector<1x1280x64xf32>
    %swap3A_22 = vector.shape_cast %swap3A_21 : vector<1x1280x64xf32> to vector<1280x64xf32>
    %swap3A_23 = vector.shape_cast %mul3A_18 : vector<1280x64xf32> to vector<1x1280x64xf32>
    tpu.vector_store %arg6[%swap3A, %swap3A_19, %swap3A_20], %swap3A_23 {strides = array<i32>} : memref<1x1280x64xf32, #tpu.memory_space<vmem>>, vector<1x1280x64xf32>,
    return
  }
  func.func @transform_0(%arg0: i32, %arg1: i32) -> (i32, i32, i32) {
    %c0_i32 = arith.constant 0 : i32
    %c0_i32_0 = arith.constant 0 : i32
    return %arg0, %arg1, %c0_i32 : i32, i32, i32
  }
  func.func @transform_1(%arg0: i32, %arg1: i32) -> (i32, i32) {
    %c0_i32 = arith.constant 0 : i32
    %c0_i32_0 = arith.constant 0 : i32
    %c0_i32_1 = arith.constant 0 : i32
    return %c0_i32, %c0_i32_0 : i32, i32
  }
  func.func @transform_2(%arg0: i32, %arg1: i32) -> (i32, i32) {
    %c0_i32 = arith.constant 0 : i32
    %c0_i32_0 = arith.constant 0 : i32
    %c0_i32_1 = arith.constant 0 : i32
    return %c0_i32, %c0_i32_0 : i32, i32
  }
  func.func @transform_3(%arg0: i32, %arg1: i32) -> (i32, i32, i32) {
    %c0_i32 = arith.constant 0 : i32
    %c0_i32_0 = arith.constant 0 : i32
    return %arg0, %arg1, %c0_i32 : i32, i32, i32
  }
  func.func @transform_4(%arg0: i32, %arg1: i32) -> (i32, i32, i32) {
    %c0_i32 = arith.constant 0 : i32
    %c0_i32_0 = arith.constant 0 : i32
    return %arg0, %arg1, %c0_i32 : i32, i32, i32
  }
}

module attributes {stable_mosaic.version = 14 : i64} {
  func.func @_smax_body(%arg0: i32, %arg1: i32, %arg2: memref<1x1280x64xf32, #tpu.memory_space<vmem>>, %arg3: memref<64x64xf32, #tpu.memory_space<vmem>>, %arg4: memref<1x64xf32, #tpu.memory_space<vmem>>, %arg5: memref<1x1280x64xf32, #tpu.memory_space<vmem>>, %arg6: memref<1x1xf32, #tpu.memory_space<vmem>>) attributes {dimension_semantics = [#tpu.dimension_semantics<arbitrary>, #tpu.dimension_semantics<arbitrary>], iteration_bounds = array<i64: 8, 1>, scalar_prefetch = 0 : i64, scratch_operands = 0 : i64, tpu.core_type = #tpu.core_type<tc>, window_params = [{transform_indices = @transform_0, window_bounds = array<i64: 1, 1280, 64>}, {pipeline_mode = #tpu.pipeline_mode<synchronous>, transform_indices = @transform_1, window_bounds = array<i64: 64, 64>}, {pipeline_mode = #tpu.pipeline_mode<synchronous>, transform_indices = @transform_2, window_bounds = array<i64: 1, 64>}, {transform_indices = @transform_3, window_bounds = array<i64: 1, 1280, 64>}, {pipeline_mode = #tpu.pipeline_mode<synchronous>, transform_indices = @transform_4, window_bounds = array<i64: 1, 1>}]} {
    %get3A = arith.constant 0 : index
    %get3A_0 = arith.constant 0 : index
    %get3A_1 = arith.constant 0 : index
    %get3A_2 = vector.load %arg2[%get3A, %get3A_0, %get3A_1] : memref<1x1280x64xf32, #tpu.memory_space<vmem>>, vector<1x1280x64xf32>
    %get3A_3 = vector.shape_cast %get3A_2 : vector<1x1280x64xf32> to vector<1280x64xf32>
    %get3A_4 = arith.constant 0 : index
    %get3A_5 = arith.constant 0 : index
    %get3A_6 = vector.load %arg3[%get3A_4, %get3A_5] : memref<64x64xf32, #tpu.memory_space<vmem>>, vector<64x64xf32>
    %dot_general3A = arith.constant dense<0.000000e+00> : vector<1280x64xf32>
    %dot_general3A_7 = tpu.matmul %get3A_3, %get3A_6, %dot_general3A {dimension_numbers = #tpu.dot_dimension_numbers<[1], [0], [0], [1], [0, 0, 1, 1], [], []>, transpose_lhs_hint = false} : vector<1280x64xf32>, vector<64x64xf32>, vector<1280x64xf32> -> vector<1280x64xf32>
    %get3A_8 = arith.constant 0 : index
    %get3A_9 = arith.constant 0 : index
    %get3A_10 = vector.load %arg4[%get3A_8, %get3A_9] : memref<1x64xf32, #tpu.memory_space<vmem>>, vector<1x64xf32>
    %get3A_11 = vector.shape_cast %get3A_10 : vector<1x64xf32> to vector<64xf32>
    %broadcast_in_dim3A = vector.shape_cast %get3A_11 : vector<64xf32> to vector<1x64xf32>
    %add3A = vector.broadcast %broadcast_in_dim3A : vector<1x64xf32> to vector<1280x64xf32>
    %add3A_12 = arith.addf %dot_general3A_7, %add3A : vector<1280x64xf32>
    %max3A = arith.constant 0.000000e+00 : f32
    %max3A_13 = vector.broadcast %max3A : f32 to vector<1280x64xf32>
    %max3A_14 = arith.maximumf %add3A_12, %max3A_13 : vector<1280x64xf32>
    %reduce_max3A = arith.constant dense<0xFF800000> : vector<1280xf32>
    %reduce_max3A_15 = vector.multi_reduction <maximumf>, %max3A_14, %reduce_max3A [1] : vector<1280x64xf32> to vector<1280xf32>
    %broadcast_in_dim3A_16 = vector.shape_cast %reduce_max3A_15 : vector<1280xf32> to vector<1280x1xf32>
    %sub3A = vector.broadcast %broadcast_in_dim3A_16 : vector<1280x1xf32> to vector<1280x64xf32>
    %sub3A_17 = arith.subf %max3A_14, %sub3A : vector<1280x64xf32>
    %exp3A = math.exp %sub3A_17 : vector<1280x64xf32>
    %reduce_sum3A = arith.constant dense<0.000000e+00> : vector<1280xf32>
    %reduce_sum3A_18 = vector.multi_reduction <add>, %exp3A, %reduce_sum3A [1] : vector<1280x64xf32> to vector<1280xf32>
    %broadcast_in_dim3A_19 = vector.shape_cast %reduce_sum3A_18 : vector<1280xf32> to vector<1280x1xf32>
    %div3A = vector.broadcast %broadcast_in_dim3A_19 : vector<1280x1xf32> to vector<1280x64xf32>
    %div3A_20 = arith.divf %exp3A, %div3A : vector<1280x64xf32>
    %iota3A = tpu.iota {dimensions = array<i32: 0>} : vector<1280x1xi32>
    %mul3A = arith.constant 1280 : i32
    %mul3A_21 = arith.muli %arg1, %mul3A : i32
    %add3A_22 = vector.broadcast %mul3A_21 : i32 to vector<1280x1xi32>
    %add3A_23 = arith.addi %iota3A, %add3A_22 : vector<1280x1xi32>
    %lt3A = arith.constant 1250 : i32
    %lt3A_24 = vector.broadcast %lt3A : i32 to vector<1280x1xi32>
    %lt3A_25 = arith.cmpi slt, %add3A_23, %lt3A_24 : vector<1280x1xi32>
    %jit3A = arith.constant 0.000000e+00 : f32
    %broadcast_in_dim3A_26 = vector.shape_cast %lt3A_25 : vector<1280x1xi1> to vector<1280x1xi1>
    %broadcast_in_dim3A_27 = vector.broadcast %broadcast_in_dim3A_26 : vector<1280x1xi1> to vector<1280x64xi1>
    %broadcast_in_dim3A_28 = vector.broadcast %jit3A : f32 to vector<1280x64xf32>
    %select_n3A = arith.select %broadcast_in_dim3A_27, %div3A_20, %broadcast_in_dim3A_28 : vector<1280x64xi1>, vector<1280x64xf32>
    %swap3A = arith.constant 0 : index
    %swap3A_29 = arith.constant 0 : index
    %swap3A_30 = arith.constant 0 : index
    %swap3A_31 = vector.load %arg5[%swap3A, %swap3A_29, %swap3A_30] : memref<1x1280x64xf32, #tpu.memory_space<vmem>>, vector<1x1280x64xf32>
    %swap3A_32 = vector.shape_cast %swap3A_31 : vector<1x1280x64xf32> to vector<1280x64xf32>
    %swap3A_33 = vector.shape_cast %select_n3A : vector<1280x64xf32> to vector<1x1280x64xf32>
    tpu.vector_store %arg5[%swap3A, %swap3A_29, %swap3A_30], %swap3A_33 {strides = array<i32>} : memref<1x1280x64xf32, #tpu.memory_space<vmem>>, vector<1x1280x64xf32>,
    %eq3A = arith.constant 0 : i32
    %eq3A_34 = arith.cmpi eq, %arg0, %eq3A : i32
    %eq3A_35 = arith.constant 0 : i32
    %eq3A_36 = arith.cmpi eq, %arg1, %eq3A_35 : i32
    %and3A = arith.andi %eq3A_34, %eq3A_36 : i1
    %convert_element_type3A = arith.extui %and3A : i1 to i32
    %cond3A = arith.constant 0 : i32
    %cond3A_37 = arith.cmpi ne, %convert_element_type3A, %cond3A : i32
    scf.if %cond3A_37 {
      %broadcast_in_dim3A_56 = arith.constant 0.000000e+00 : f32
      %broadcast_in_dim3A_57 = vector.broadcast %broadcast_in_dim3A_56 : f32 to vector<1x1xf32>
      %swap3A_58 = arith.constant 0 : index
      %swap3A_59 = arith.constant 0 : index
      %swap3A_60 = vector.load %arg6[%swap3A_58, %swap3A_59] : memref<1x1xf32, #tpu.memory_space<vmem>>, vector<1x1xf32>
      tpu.vector_store %arg6[%swap3A_58, %swap3A_59], %broadcast_in_dim3A_57 {strides = array<i32>} : memref<1x1xf32, #tpu.memory_space<vmem>>, vector<1x1xf32>,
    } else {
    }
    %neg3A = arith.constant 0.000000e+00 : f32
    %neg3A_38 = vector.broadcast %neg3A : f32 to vector<1280x64xf32>
    %neg3A_39 = arith.subf %neg3A_38, %select_n3A : vector<1280x64xf32>
    %add3A_40 = arith.constant 1.000000e-15 : f32
    %add3A_41 = vector.broadcast %add3A_40 : f32 to vector<1280x64xf32>
    %add3A_42 = arith.addf %select_n3A, %add3A_41 : vector<1280x64xf32>
    %log3A = math.log %add3A_42 : vector<1280x64xf32>
    %mul3A_43 = arith.mulf %neg3A_39, %log3A : vector<1280x64xf32>
    %reduce_sum3A_44 = vector.shape_cast %mul3A_43 : vector<1280x64xf32> to vector<1x1280x64xf32>
    %reduce_sum3A_45 = arith.constant dense<0.000000e+00> : vector<1xf32>
    %reduce_sum3A_46 = vector.multi_reduction <add>, %reduce_sum3A_44, %reduce_sum3A_45 [1, 2] : vector<1x1280x64xf32> to vector<1xf32>
    %reduce_sum3A_47 = vector.shape_cast %reduce_sum3A_46 : vector<1xf32> to vector<1x1x1xf32>
    %reduce_sum3A_48 = vector.extract %reduce_sum3A_47[0, 0, 0] : f32 from vector<1x1x1xf32>
    %get3A_49 = arith.constant 0 : index
    %get3A_50 = arith.constant 0 : index
    %get3A_51 = vector.load %arg6[%get3A_49, %get3A_50] : memref<1x1xf32, #tpu.memory_space<vmem>>, vector<1x1xf32>
    %reshape3A = vector.broadcast %reduce_sum3A_48 : f32 to vector<1x1xf32>
    %add3A_52 = arith.addf %get3A_51, %reshape3A : vector<1x1xf32>
    %swap3A_53 = arith.constant 0 : index
    %swap3A_54 = arith.constant 0 : index
    %swap3A_55 = vector.load %arg6[%swap3A_53, %swap3A_54] : memref<1x1xf32, #tpu.memory_space<vmem>>, vector<1x1xf32>
    tpu.vector_store %arg6[%swap3A_53, %swap3A_54], %add3A_52 {strides = array<i32>} : memref<1x1xf32, #tpu.memory_space<vmem>>, vector<1x1xf32>,
    return
  }
  func.func @transform_0(%arg0: i32, %arg1: i32) -> (i32, i32, i32) {
    %c0_i32 = arith.constant 0 : i32
    %c0_i32_0 = arith.constant 0 : i32
    return %arg0, %arg1, %c0_i32 : i32, i32, i32
  }
  func.func @transform_1(%arg0: i32, %arg1: i32) -> (i32, i32) {
    %c0_i32 = arith.constant 0 : i32
    %c0_i32_0 = arith.constant 0 : i32
    %c0_i32_1 = arith.constant 0 : i32
    return %c0_i32, %c0_i32_0 : i32, i32
  }
  func.func @transform_2(%arg0: i32, %arg1: i32) -> (i32, i32) {
    %c0_i32 = arith.constant 0 : i32
    %c0_i32_0 = arith.constant 0 : i32
    %c0_i32_1 = arith.constant 0 : i32
    return %c0_i32, %c0_i32_0 : i32, i32
  }
  func.func @transform_3(%arg0: i32, %arg1: i32) -> (i32, i32, i32) {
    %c0_i32 = arith.constant 0 : i32
    %c0_i32_0 = arith.constant 0 : i32
    return %arg0, %arg1, %c0_i32 : i32, i32, i32
  }
  func.func @transform_4(%arg0: i32, %arg1: i32) -> (i32, i32) {
    %c0_i32 = arith.constant 0 : i32
    %c0_i32_0 = arith.constant 0 : i32
    %c0_i32_1 = arith.constant 0 : i32
    return %c0_i32, %c0_i32_0 : i32, i32
  }
}

module attributes {stable_mosaic.version = 14 : i64} {
  func.func @_link_body(%arg0: i32, %arg1: i32, %arg2: memref<1x1280x1280xbf16, #tpu.memory_space<vmem>>, %arg3: memref<1x1280x64xf32, #tpu.memory_space<vmem>>, %arg4: memref<1x1280x64xf32, #tpu.memory_space<vmem>>, %arg5: memref<1x2xf32, #tpu.memory_space<vmem>>) attributes {dimension_semantics = [#tpu.dimension_semantics<arbitrary>, #tpu.dimension_semantics<arbitrary>], iteration_bounds = array<i64: 8, 1>, scalar_prefetch = 0 : i64, scratch_operands = 0 : i64, tpu.core_type = #tpu.core_type<tc>, window_params = [{transform_indices = @transform_0, window_bounds = array<i64: 1, 1280, 1280>}, {transform_indices = @transform_1, window_bounds = array<i64: 1, 1280, 64>}, {transform_indices = @transform_2, window_bounds = array<i64: 1, 1280, 64>}, {pipeline_mode = #tpu.pipeline_mode<synchronous>, transform_indices = @transform_3, window_bounds = array<i64: 1, 2>}]} {
    %get3A = arith.constant 0 : index
    %get3A_0 = arith.constant 0 : index
    %get3A_1 = arith.constant 0 : index
    %get3A_2 = vector.load %arg2[%get3A, %get3A_0, %get3A_1] : memref<1x1280x1280xbf16, #tpu.memory_space<vmem>>, vector<1x1280x1280xbf16>
    %get3A_3 = vector.shape_cast %get3A_2 : vector<1x1280x1280xbf16> to vector<1280x1280xbf16>
    %convert_element_type3A = arith.extf %get3A_3 : vector<1280x1280xbf16> to vector<1280x1280xf32>
    %get3A_4 = arith.constant 0 : index
    %get3A_5 = arith.constant 0 : index
    %get3A_6 = arith.constant 0 : index
    %get3A_7 = vector.load %arg3[%get3A_4, %get3A_5, %get3A_6] : memref<1x1280x64xf32, #tpu.memory_space<vmem>>, vector<1x1280x64xf32>
    %get3A_8 = vector.shape_cast %get3A_7 : vector<1x1280x64xf32> to vector<1280x64xf32>
    %dot_general3A = arith.constant dense<0.000000e+00> : vector<1280x64xf32>
    %dot_general3A_9 = tpu.matmul %convert_element_type3A, %get3A_8, %dot_general3A {dimension_numbers = #tpu.dot_dimension_numbers<[1], [0], [0], [1], [0, 0, 1, 1], [], []>, transpose_lhs_hint = false} : vector<1280x1280xf32>, vector<1280x64xf32>, vector<1280x64xf32> -> vector<1280x64xf32>
    %get3A_10 = arith.constant 0 : index
    %get3A_11 = arith.constant 0 : index
    %get3A_12 = arith.constant 0 : index
    %get3A_13 = vector.load %arg4[%get3A_10, %get3A_11, %get3A_12] : memref<1x1280x64xf32, #tpu.memory_space<vmem>>, vector<1x1280x64xf32>
    %get3A_14 = vector.shape_cast %get3A_13 : vector<1x1280x64xf32> to vector<1280x64xf32>
    %mul3A = arith.mulf %dot_general3A_9, %get3A_14 : vector<1280x64xf32>
    %reduce_sum3A = vector.shape_cast %mul3A : vector<1280x64xf32> to vector<1x1280x64xf32>
    %reduce_sum3A_15 = arith.constant dense<0.000000e+00> : vector<1xf32>
    %reduce_sum3A_16 = vector.multi_reduction <add>, %reduce_sum3A, %reduce_sum3A_15 [1, 2] : vector<1x1280x64xf32> to vector<1xf32>
    %reduce_sum3A_17 = vector.shape_cast %reduce_sum3A_16 : vector<1xf32> to vector<1x1x1xf32>
    %reduce_sum3A_18 = vector.extract %reduce_sum3A_17[0, 0, 0] : f32 from vector<1x1x1xf32>
    %mul3A_19 = arith.mulf %convert_element_type3A, %convert_element_type3A : vector<1280x1280xf32>
    %reduce_sum3A_20 = vector.shape_cast %mul3A_19 : vector<1280x1280xf32> to vector<1x1280x1280xf32>
    %reduce_sum3A_21 = arith.constant dense<0.000000e+00> : vector<1xf32>
    %reduce_sum3A_22 = vector.multi_reduction <add>, %reduce_sum3A_20, %reduce_sum3A_21 [1, 2] : vector<1x1280x1280xf32> to vector<1xf32>
    %reduce_sum3A_23 = vector.shape_cast %reduce_sum3A_22 : vector<1xf32> to vector<1x1x1xf32>
    %reduce_sum3A_24 = vector.extract %reduce_sum3A_23[0, 0, 0] : f32 from vector<1x1x1xf32>
    %eq3A = arith.constant 0 : i32
    %eq3A_25 = arith.cmpi eq, %arg0, %eq3A : i32
    %eq3A_26 = arith.constant 0 : i32
    %eq3A_27 = arith.cmpi eq, %arg1, %eq3A_26 : i32
    %and3A = arith.andi %eq3A_25, %eq3A_27 : i1
    %convert_element_type3A_28 = arith.extui %and3A : i1 to i32
    %cond3A = arith.constant 0 : i32
    %cond3A_29 = arith.cmpi ne, %convert_element_type3A_28, %cond3A : i32
    scf.if %cond3A_29 {
      %broadcast_in_dim3A = arith.constant 0.000000e+00 : f32
      %broadcast_in_dim3A_37 = vector.broadcast %broadcast_in_dim3A : f32 to vector<1x2xf32>
      %swap3A_38 = arith.constant 0 : index
      %swap3A_39 = arith.constant 0 : index
      %swap3A_40 = vector.load %arg5[%swap3A_38, %swap3A_39] : memref<1x2xf32, #tpu.memory_space<vmem>>, vector<1x2xf32>
      tpu.vector_store %arg5[%swap3A_38, %swap3A_39], %broadcast_in_dim3A_37 {strides = array<i32>} : memref<1x2xf32, #tpu.memory_space<vmem>>, vector<1x2xf32>,
    } else {
    }
    %get3A_30 = arith.constant 0 : index
    %get3A_31 = arith.constant 0 : index
    %get3A_32 = vector.load %arg5[%get3A_30, %get3A_31] : memref<1x2xf32, #tpu.memory_space<vmem>>, vector<1x2xf32>
    %stack3A = vector.broadcast %reduce_sum3A_24 : f32 to vector<1xf32>
    %stack3A_33 = vector.broadcast %reduce_sum3A_18 : f32 to vector<1xf32>
    %stack3A_34 = tpu.concatenate %stack3A, %stack3A_33 in 0 : vector<1xf32>, vector<1xf32> -> vector<2xf32>
    %reshape3A = vector.shape_cast %stack3A_34 : vector<2xf32> to vector<1x2xf32>
    %add3A = arith.addf %get3A_32, %reshape3A : vector<1x2xf32>
    %swap3A = arith.constant 0 : index
    %swap3A_35 = arith.constant 0 : index
    %swap3A_36 = vector.load %arg5[%swap3A, %swap3A_35] : memref<1x2xf32, #tpu.memory_space<vmem>>, vector<1x2xf32>
    tpu.vector_store %arg5[%swap3A, %swap3A_35], %add3A {strides = array<i32>} : memref<1x2xf32, #tpu.memory_space<vmem>>, vector<1x2xf32>,
    return
  }
  func.func @transform_0(%arg0: i32, %arg1: i32) -> (i32, i32, i32) {
    %c0_i32 = arith.constant 0 : i32
    %c0_i32_0 = arith.constant 0 : i32
    return %arg0, %arg1, %c0_i32 : i32, i32, i32
  }
  func.func @transform_1(%arg0: i32, %arg1: i32) -> (i32, i32, i32) {
    %c0_i32 = arith.constant 0 : i32
    %c0_i32_0 = arith.constant 0 : i32
    %c0_i32_1 = arith.constant 0 : i32
    return %arg0, %c0_i32, %c0_i32_0 : i32, i32, i32
  }
  func.func @transform_2(%arg0: i32, %arg1: i32) -> (i32, i32, i32) {
    %c0_i32 = arith.constant 0 : i32
    %c0_i32_0 = arith.constant 0 : i32
    return %arg0, %arg1, %c0_i32 : i32, i32, i32
  }
  func.func @transform_3(%arg0: i32, %arg1: i32) -> (i32, i32) {
    %c0_i32 = arith.constant 0 : i32
    %c0_i32_0 = arith.constant 0 : i32
    %c0_i32_1 = arith.constant 0 : i32
    return %c0_i32, %c0_i32_0 : i32, i32
  }
}

module attributes {stable_mosaic.version = 14 : i64} {
  func.func @_tail_body(%arg0: memref<8x1280x128xf32, #tpu.memory_space<vmem>>, %arg1: memref<8x1280x64xf32, #tpu.memory_space<vmem>>, %arg2: memref<1x3xf32, #tpu.memory_space<vmem>>, %arg3: memref<64x64xf32, #tpu.memory_space<vmem>>, %arg4: memref<64xf32, #tpu.memory_space<vmem>>, %arg5: memref<64xf32, #tpu.memory_space<vmem>>, %arg6: memref<64xf32, #tpu.memory_space<vmem>>, %arg7: memref<64x64xf32, #tpu.memory_space<vmem>>, %arg8: memref<64xf32, #tpu.memory_space<vmem>>, %arg9: memref<64xf32, #tpu.memory_space<vmem>>, %arg10: memref<64xf32, #tpu.memory_space<vmem>>, %arg11: memref<64x64xf32, #tpu.memory_space<vmem>>, %arg12: memref<64xf32, #tpu.memory_space<vmem>>, %arg13: memref<64xf32, #tpu.memory_space<vmem>>, %arg14: memref<64xf32, #tpu.memory_space<vmem>>, %arg15: memref<64x64xf32, #tpu.memory_space<vmem>>, %arg16: memref<64xf32, #tpu.memory_space<vmem>>, %arg17: memref<64x64xf32, #tpu.memory_space<vmem>>, %arg18: memref<64xf32, #tpu.memory_space<vmem>>, %arg19: memref<64x64xf32, #tpu.memory_space<vmem>>, %arg20: memref<64xf32, #tpu.memory_space<vmem>>, %arg21: memref<64x128xf32, #tpu.memory_space<vmem>>, %arg22: memref<128xf32, #tpu.memory_space<vmem>>, %arg23: memref<128x10xf32, #tpu.memory_space<vmem>>, %arg24: memref<10xf32, #tpu.memory_space<vmem>>, %arg25: memref<8x10xf32, #tpu.memory_space<vmem>>, %arg26: memref<1x1xf32, #tpu.memory_space<vmem>>) attributes {dimension_semantics = [], scalar_prefetch = 0 : i64, scratch_operands = 0 : i64, tpu.core_type = #tpu.core_type<tc>} {
    %get3A = arith.constant 0 : index
    %get3A_0 = arith.constant 0 : index
    %get3A_1 = arith.constant 0 : index
    %get3A_2 = vector.load %arg1[%get3A, %get3A_0, %get3A_1] : memref<8x1280x64xf32, #tpu.memory_space<vmem>>, vector<1x1280x64xf32>
    %get3A_3 = vector.shape_cast %get3A_2 : vector<1x1280x64xf32> to vector<1280x64xf32>
    %get3A_4 = arith.constant 0 : index
    %get3A_5 = arith.constant 0 : index
    %get3A_6 = arith.constant 0 : index
    %get3A_7 = vector.load %arg0[%get3A_4, %get3A_5, %get3A_6] : memref<8x1280x128xf32, #tpu.memory_space<vmem>>, vector<1x1280x128xf32>
    %get3A_8 = vector.shape_cast %get3A_7 : vector<1x1280x128xf32> to vector<1280x128xf32>
    %slice3A = vector.extract_strided_slice %get3A_8 {offsets = [0, 64], sizes = [1280, 64], strides = [1, 1]} : vector<1280x128xf32> to vector<1280x64xf32>
    %dot_general3A = arith.constant dense<0.000000e+00> : vector<64x64xf32>
    %dot_general3A_9 = tpu.matmul %get3A_3, %slice3A, %dot_general3A {dimension_numbers = #tpu.dot_dimension_numbers<[0], [0], [1], [1], [0, 1, 1, 1], [], []>, transpose_lhs_hint = false} : vector<1280x64xf32>, vector<1280x64xf32>, vector<64x64xf32> -> vector<64x64xf32>
    %dot_general3A_10 = arith.constant dense<0.000000e+00> : vector<64x64xf32>
    %dot_general3A_11 = tpu.matmul %get3A_3, %get3A_3, %dot_general3A_10 {dimension_numbers = #tpu.dot_dimension_numbers<[0], [0], [1], [1], [0, 1, 1, 1], [], []>, transpose_lhs_hint = false} : vector<1280x64xf32>, vector<1280x64xf32>, vector<64x64xf32> -> vector<64x64xf32>
    %mul3A = arith.mulf %dot_general3A_11, %dot_general3A_11 : vector<64x64xf32>
    %reduce_sum3A = vector.shape_cast %mul3A : vector<64x64xf32> to vector<1x64x64xf32>
    %reduce_sum3A_12 = arith.constant dense<0.000000e+00> : vector<1xf32>
    %reduce_sum3A_13 = vector.multi_reduction <add>, %reduce_sum3A, %reduce_sum3A_12 [1, 2] : vector<1x64x64xf32> to vector<1xf32>
    %reduce_sum3A_14 = vector.shape_cast %reduce_sum3A_13 : vector<1xf32> to vector<1x1x1xf32>
    %reduce_sum3A_15 = vector.extract %reduce_sum3A_14[0, 0, 0] : f32 from vector<1x1x1xf32>
    %add3A = arith.constant 0.000000e+00 : f32
    %add3A_16 = arith.addf %add3A, %reduce_sum3A_15 : f32
    %get3A_17 = arith.constant 1 : index
    %get3A_18 = arith.constant 0 : index
    %get3A_19 = arith.constant 0 : index
    %get3A_20 = vector.load %arg1[%get3A_17, %get3A_18, %get3A_19] : memref<8x1280x64xf32, #tpu.memory_space<vmem>>, vector<1x1280x64xf32>
    %get3A_21 = vector.shape_cast %get3A_20 : vector<1x1280x64xf32> to vector<1280x64xf32>
    %get3A_22 = arith.constant 1 : index
    %get3A_23 = arith.constant 0 : index
    %get3A_24 = arith.constant 0 : index
    %get3A_25 = vector.load %arg0[%get3A_22, %get3A_23, %get3A_24] : memref<8x1280x128xf32, #tpu.memory_space<vmem>>, vector<1x1280x128xf32>
    %get3A_26 = vector.shape_cast %get3A_25 : vector<1x1280x128xf32> to vector<1280x128xf32>
    %slice3A_27 = vector.extract_strided_slice %get3A_26 {offsets = [0, 64], sizes = [1280, 64], strides = [1, 1]} : vector<1280x128xf32> to vector<1280x64xf32>
    %dot_general3A_28 = arith.constant dense<0.000000e+00> : vector<64x64xf32>
    %dot_general3A_29 = tpu.matmul %get3A_21, %slice3A_27, %dot_general3A_28 {dimension_numbers = #tpu.dot_dimension_numbers<[0], [0], [1], [1], [0, 1, 1, 1], [], []>, transpose_lhs_hint = false} : vector<1280x64xf32>, vector<1280x64xf32>, vector<64x64xf32> -> vector<64x64xf32>
    %dot_general3A_30 = arith.constant dense<0.000000e+00> : vector<64x64xf32>
    %dot_general3A_31 = tpu.matmul %get3A_21, %get3A_21, %dot_general3A_30 {dimension_numbers = #tpu.dot_dimension_numbers<[0], [0], [1], [1], [0, 1, 1, 1], [], []>, transpose_lhs_hint = false} : vector<1280x64xf32>, vector<1280x64xf32>, vector<64x64xf32> -> vector<64x64xf32>
    %mul3A_32 = arith.mulf %dot_general3A_31, %dot_general3A_31 : vector<64x64xf32>
    %reduce_sum3A_33 = vector.shape_cast %mul3A_32 : vector<64x64xf32> to vector<1x64x64xf32>
    %reduce_sum3A_34 = arith.constant dense<0.000000e+00> : vector<1xf32>
    %reduce_sum3A_35 = vector.multi_reduction <add>, %reduce_sum3A_33, %reduce_sum3A_34 [1, 2] : vector<1x64x64xf32> to vector<1xf32>
    %reduce_sum3A_36 = vector.shape_cast %reduce_sum3A_35 : vector<1xf32> to vector<1x1x1xf32>
    %reduce_sum3A_37 = vector.extract %reduce_sum3A_36[0, 0, 0] : f32 from vector<1x1x1xf32>
    %add3A_38 = arith.addf %add3A_16, %reduce_sum3A_37 : f32
    %get3A_39 = arith.constant 2 : index
    %get3A_40 = arith.constant 0 : index
    %get3A_41 = arith.constant 0 : index
    %get3A_42 = vector.load %arg1[%get3A_39, %get3A_40, %get3A_41] : memref<8x1280x64xf32, #tpu.memory_space<vmem>>, vector<1x1280x64xf32>
    %get3A_43 = vector.shape_cast %get3A_42 : vector<1x1280x64xf32> to vector<1280x64xf32>
    %get3A_44 = arith.constant 2 : index
    %get3A_45 = arith.constant 0 : index
    %get3A_46 = arith.constant 0 : index
    %get3A_47 = vector.load %arg0[%get3A_44, %get3A_45, %get3A_46] : memref<8x1280x128xf32, #tpu.memory_space<vmem>>, vector<1x1280x128xf32>
    %get3A_48 = vector.shape_cast %get3A_47 : vector<1x1280x128xf32> to vector<1280x128xf32>
    %slice3A_49 = vector.extract_strided_slice %get3A_48 {offsets = [0, 64], sizes = [1280, 64], strides = [1, 1]} : vector<1280x128xf32> to vector<1280x64xf32>
    %dot_general3A_50 = arith.constant dense<0.000000e+00> : vector<64x64xf32>
    %dot_general3A_51 = tpu.matmul %get3A_43, %slice3A_49, %dot_general3A_50 {dimension_numbers = #tpu.dot_dimension_numbers<[0], [0], [1], [1], [0, 1, 1, 1], [], []>, transpose_lhs_hint = false} : vector<1280x64xf32>, vector<1280x64xf32>, vector<64x64xf32> -> vector<64x64xf32>
    %dot_general3A_52 = arith.constant dense<0.000000e+00> : vector<64x64xf32>
    %dot_general3A_53 = tpu.matmul %get3A_43, %get3A_43, %dot_general3A_52 {dimension_numbers = #tpu.dot_dimension_numbers<[0], [0], [1], [1], [0, 1, 1, 1], [], []>, transpose_lhs_hint = false} : vector<1280x64xf32>, vector<1280x64xf32>, vector<64x64xf32> -> vector<64x64xf32>
    %mul3A_54 = arith.mulf %dot_general3A_53, %dot_general3A_53 : vector<64x64xf32>
    %reduce_sum3A_55 = vector.shape_cast %mul3A_54 : vector<64x64xf32> to vector<1x64x64xf32>
    %reduce_sum3A_56 = arith.constant dense<0.000000e+00> : vector<1xf32>
    %reduce_sum3A_57 = vector.multi_reduction <add>, %reduce_sum3A_55, %reduce_sum3A_56 [1, 2] : vector<1x64x64xf32> to vector<1xf32>
    %reduce_sum3A_58 = vector.shape_cast %reduce_sum3A_57 : vector<1xf32> to vector<1x1x1xf32>
    %reduce_sum3A_59 = vector.extract %reduce_sum3A_58[0, 0, 0] : f32 from vector<1x1x1xf32>
    %add3A_60 = arith.addf %add3A_38, %reduce_sum3A_59 : f32
    %get3A_61 = arith.constant 3 : index
    %get3A_62 = arith.constant 0 : index
    %get3A_63 = arith.constant 0 : index
    %get3A_64 = vector.load %arg1[%get3A_61, %get3A_62, %get3A_63] : memref<8x1280x64xf32, #tpu.memory_space<vmem>>, vector<1x1280x64xf32>
    %get3A_65 = vector.shape_cast %get3A_64 : vector<1x1280x64xf32> to vector<1280x64xf32>
    %get3A_66 = arith.constant 3 : index
    %get3A_67 = arith.constant 0 : index
    %get3A_68 = arith.constant 0 : index
    %get3A_69 = vector.load %arg0[%get3A_66, %get3A_67, %get3A_68] : memref<8x1280x128xf32, #tpu.memory_space<vmem>>, vector<1x1280x128xf32>
    %get3A_70 = vector.shape_cast %get3A_69 : vector<1x1280x128xf32> to vector<1280x128xf32>
    %slice3A_71 = vector.extract_strided_slice %get3A_70 {offsets = [0, 64], sizes = [1280, 64], strides = [1, 1]} : vector<1280x128xf32> to vector<1280x64xf32>
    %dot_general3A_72 = arith.constant dense<0.000000e+00> : vector<64x64xf32>
    %dot_general3A_73 = tpu.matmul %get3A_65, %slice3A_71, %dot_general3A_72 {dimension_numbers = #tpu.dot_dimension_numbers<[0], [0], [1], [1], [0, 1, 1, 1], [], []>, transpose_lhs_hint = false} : vector<1280x64xf32>, vector<1280x64xf32>, vector<64x64xf32> -> vector<64x64xf32>
    %dot_general3A_74 = arith.constant dense<0.000000e+00> : vector<64x64xf32>
    %dot_general3A_75 = tpu.matmul %get3A_65, %get3A_65, %dot_general3A_74 {dimension_numbers = #tpu.dot_dimension_numbers<[0], [0], [1], [1], [0, 1, 1, 1], [], []>, transpose_lhs_hint = false} : vector<1280x64xf32>, vector<1280x64xf32>, vector<64x64xf32> -> vector<64x64xf32>
    %mul3A_76 = arith.mulf %dot_general3A_75, %dot_general3A_75 : vector<64x64xf32>
    %reduce_sum3A_77 = vector.shape_cast %mul3A_76 : vector<64x64xf32> to vector<1x64x64xf32>
    %reduce_sum3A_78 = arith.constant dense<0.000000e+00> : vector<1xf32>
    %reduce_sum3A_79 = vector.multi_reduction <add>, %reduce_sum3A_77, %reduce_sum3A_78 [1, 2] : vector<1x64x64xf32> to vector<1xf32>
    %reduce_sum3A_80 = vector.shape_cast %reduce_sum3A_79 : vector<1xf32> to vector<1x1x1xf32>
    %reduce_sum3A_81 = vector.extract %reduce_sum3A_80[0, 0, 0] : f32 from vector<1x1x1xf32>
    %add3A_82 = arith.addf %add3A_60, %reduce_sum3A_81 : f32
    %get3A_83 = arith.constant 4 : index
    %get3A_84 = arith.constant 0 : index
    %get3A_85 = arith.constant 0 : index
    %get3A_86 = vector.load %arg1[%get3A_83, %get3A_84, %get3A_85] : memref<8x1280x64xf32, #tpu.memory_space<vmem>>, vector<1x1280x64xf32>
    %get3A_87 = vector.shape_cast %get3A_86 : vector<1x1280x64xf32> to vector<1280x64xf32>
    %get3A_88 = arith.constant 4 : index
    %get3A_89 = arith.constant 0 : index
    %get3A_90 = arith.constant 0 : index
    %get3A_91 = vector.load %arg0[%get3A_88, %get3A_89, %get3A_90] : memref<8x1280x128xf32, #tpu.memory_space<vmem>>, vector<1x1280x128xf32>
    %get3A_92 = vector.shape_cast %get3A_91 : vector<1x1280x128xf32> to vector<1280x128xf32>
    %slice3A_93 = vector.extract_strided_slice %get3A_92 {offsets = [0, 64], sizes = [1280, 64], strides = [1, 1]} : vector<1280x128xf32> to vector<1280x64xf32>
    %dot_general3A_94 = arith.constant dense<0.000000e+00> : vector<64x64xf32>
    %dot_general3A_95 = tpu.matmul %get3A_87, %slice3A_93, %dot_general3A_94 {dimension_numbers = #tpu.dot_dimension_numbers<[0], [0], [1], [1], [0, 1, 1, 1], [], []>, transpose_lhs_hint = false} : vector<1280x64xf32>, vector<1280x64xf32>, vector<64x64xf32> -> vector<64x64xf32>
    %dot_general3A_96 = arith.constant dense<0.000000e+00> : vector<64x64xf32>
    %dot_general3A_97 = tpu.matmul %get3A_87, %get3A_87, %dot_general3A_96 {dimension_numbers = #tpu.dot_dimension_numbers<[0], [0], [1], [1], [0, 1, 1, 1], [], []>, transpose_lhs_hint = false} : vector<1280x64xf32>, vector<1280x64xf32>, vector<64x64xf32> -> vector<64x64xf32>
    %mul3A_98 = arith.mulf %dot_general3A_97, %dot_general3A_97 : vector<64x64xf32>
    %reduce_sum3A_99 = vector.shape_cast %mul3A_98 : vector<64x64xf32> to vector<1x64x64xf32>
    %reduce_sum3A_100 = arith.constant dense<0.000000e+00> : vector<1xf32>
    %reduce_sum3A_101 = vector.multi_reduction <add>, %reduce_sum3A_99, %reduce_sum3A_100 [1, 2] : vector<1x64x64xf32> to vector<1xf32>
    %reduce_sum3A_102 = vector.shape_cast %reduce_sum3A_101 : vector<1xf32> to vector<1x1x1xf32>
    %reduce_sum3A_103 = vector.extract %reduce_sum3A_102[0, 0, 0] : f32 from vector<1x1x1xf32>
    %add3A_104 = arith.addf %add3A_82, %reduce_sum3A_103 : f32
    %get3A_105 = arith.constant 5 : index
    %get3A_106 = arith.constant 0 : index
    %get3A_107 = arith.constant 0 : index
    %get3A_108 = vector.load %arg1[%get3A_105, %get3A_106, %get3A_107] : memref<8x1280x64xf32, #tpu.memory_space<vmem>>, vector<1x1280x64xf32>
    %get3A_109 = vector.shape_cast %get3A_108 : vector<1x1280x64xf32> to vector<1280x64xf32>
    %get3A_110 = arith.constant 5 : index
    %get3A_111 = arith.constant 0 : index
    %get3A_112 = arith.constant 0 : index
    %get3A_113 = vector.load %arg0[%get3A_110, %get3A_111, %get3A_112] : memref<8x1280x128xf32, #tpu.memory_space<vmem>>, vector<1x1280x128xf32>
    %get3A_114 = vector.shape_cast %get3A_113 : vector<1x1280x128xf32> to vector<1280x128xf32>
    %slice3A_115 = vector.extract_strided_slice %get3A_114 {offsets = [0, 64], sizes = [1280, 64], strides = [1, 1]} : vector<1280x128xf32> to vector<1280x64xf32>
    %dot_general3A_116 = arith.constant dense<0.000000e+00> : vector<64x64xf32>
    %dot_general3A_117 = tpu.matmul %get3A_109, %slice3A_115, %dot_general3A_116 {dimension_numbers = #tpu.dot_dimension_numbers<[0], [0], [1], [1], [0, 1, 1, 1], [], []>, transpose_lhs_hint = false} : vector<1280x64xf32>, vector<1280x64xf32>, vector<64x64xf32> -> vector<64x64xf32>
    %dot_general3A_118 = arith.constant dense<0.000000e+00> : vector<64x64xf32>
    %dot_general3A_119 = tpu.matmul %get3A_109, %get3A_109, %dot_general3A_118 {dimension_numbers = #tpu.dot_dimension_numbers<[0], [0], [1], [1], [0, 1, 1, 1], [], []>, transpose_lhs_hint = false} : vector<1280x64xf32>, vector<1280x64xf32>, vector<64x64xf32> -> vector<64x64xf32>
    %mul3A_120 = arith.mulf %dot_general3A_119, %dot_general3A_119 : vector<64x64xf32>
    %reduce_sum3A_121 = vector.shape_cast %mul3A_120 : vector<64x64xf32> to vector<1x64x64xf32>
    %reduce_sum3A_122 = arith.constant dense<0.000000e+00> : vector<1xf32>
    %reduce_sum3A_123 = vector.multi_reduction <add>, %reduce_sum3A_121, %reduce_sum3A_122 [1, 2] : vector<1x64x64xf32> to vector<1xf32>
    %reduce_sum3A_124 = vector.shape_cast %reduce_sum3A_123 : vector<1xf32> to vector<1x1x1xf32>
    %reduce_sum3A_125 = vector.extract %reduce_sum3A_124[0, 0, 0] : f32 from vector<1x1x1xf32>
    %add3A_126 = arith.addf %add3A_104, %reduce_sum3A_125 : f32
    %get3A_127 = arith.constant 6 : index
    %get3A_128 = arith.constant 0 : index
    %get3A_129 = arith.constant 0 : index
    %get3A_130 = vector.load %arg1[%get3A_127, %get3A_128, %get3A_129] : memref<8x1280x64xf32, #tpu.memory_space<vmem>>, vector<1x1280x64xf32>
    %get3A_131 = vector.shape_cast %get3A_130 : vector<1x1280x64xf32> to vector<1280x64xf32>
    %get3A_132 = arith.constant 6 : index
    %get3A_133 = arith.constant 0 : index
    %get3A_134 = arith.constant 0 : index
    %get3A_135 = vector.load %arg0[%get3A_132, %get3A_133, %get3A_134] : memref<8x1280x128xf32, #tpu.memory_space<vmem>>, vector<1x1280x128xf32>
    %get3A_136 = vector.shape_cast %get3A_135 : vector<1x1280x128xf32> to vector<1280x128xf32>
    %slice3A_137 = vector.extract_strided_slice %get3A_136 {offsets = [0, 64], sizes = [1280, 64], strides = [1, 1]} : vector<1280x128xf32> to vector<1280x64xf32>
    %dot_general3A_138 = arith.constant dense<0.000000e+00> : vector<64x64xf32>
    %dot_general3A_139 = tpu.matmul %get3A_131, %slice3A_137, %dot_general3A_138 {dimension_numbers = #tpu.dot_dimension_numbers<[0], [0], [1], [1], [0, 1, 1, 1], [], []>, transpose_lhs_hint = false} : vector<1280x64xf32>, vector<1280x64xf32>, vector<64x64xf32> -> vector<64x64xf32>
    %dot_general3A_140 = arith.constant dense<0.000000e+00> : vector<64x64xf32>
    %dot_general3A_141 = tpu.matmul %get3A_131, %get3A_131, %dot_general3A_140 {dimension_numbers = #tpu.dot_dimension_numbers<[0], [0], [1], [1], [0, 1, 1, 1], [], []>, transpose_lhs_hint = false} : vector<1280x64xf32>, vector<1280x64xf32>, vector<64x64xf32> -> vector<64x64xf32>
    %mul3A_142 = arith.mulf %dot_general3A_141, %dot_general3A_141 : vector<64x64xf32>
    %reduce_sum3A_143 = vector.shape_cast %mul3A_142 : vector<64x64xf32> to vector<1x64x64xf32>
    %reduce_sum3A_144 = arith.constant dense<0.000000e+00> : vector<1xf32>
    %reduce_sum3A_145 = vector.multi_reduction <add>, %reduce_sum3A_143, %reduce_sum3A_144 [1, 2] : vector<1x64x64xf32> to vector<1xf32>
    %reduce_sum3A_146 = vector.shape_cast %reduce_sum3A_145 : vector<1xf32> to vector<1x1x1xf32>
    %reduce_sum3A_147 = vector.extract %reduce_sum3A_146[0, 0, 0] : f32 from vector<1x1x1xf32>
    %add3A_148 = arith.addf %add3A_126, %reduce_sum3A_147 : f32
    %get3A_149 = arith.constant 7 : index
    %get3A_150 = arith.constant 0 : index
    %get3A_151 = arith.constant 0 : index
    %get3A_152 = vector.load %arg1[%get3A_149, %get3A_150, %get3A_151] : memref<8x1280x64xf32, #tpu.memory_space<vmem>>, vector<1x1280x64xf32>
    %get3A_153 = vector.shape_cast %get3A_152 : vector<1x1280x64xf32> to vector<1280x64xf32>
    %get3A_154 = arith.constant 7 : index
    %get3A_155 = arith.constant 0 : index
    %get3A_156 = arith.constant 0 : index
    %get3A_157 = vector.load %arg0[%get3A_154, %get3A_155, %get3A_156] : memref<8x1280x128xf32, #tpu.memory_space<vmem>>, vector<1x1280x128xf32>
    %get3A_158 = vector.shape_cast %get3A_157 : vector<1x1280x128xf32> to vector<1280x128xf32>
    %slice3A_159 = vector.extract_strided_slice %get3A_158 {offsets = [0, 64], sizes = [1280, 64], strides = [1, 1]} : vector<1280x128xf32> to vector<1280x64xf32>
    %dot_general3A_160 = arith.constant dense<0.000000e+00> : vector<64x64xf32>
    %dot_general3A_161 = tpu.matmul %get3A_153, %slice3A_159, %dot_general3A_160 {dimension_numbers = #tpu.dot_dimension_numbers<[0], [0], [1], [1], [0, 1, 1, 1], [], []>, transpose_lhs_hint = false} : vector<1280x64xf32>, vector<1280x64xf32>, vector<64x64xf32> -> vector<64x64xf32>
    %dot_general3A_162 = arith.constant dense<0.000000e+00> : vector<64x64xf32>
    %dot_general3A_163 = tpu.matmul %get3A_153, %get3A_153, %dot_general3A_162 {dimension_numbers = #tpu.dot_dimension_numbers<[0], [0], [1], [1], [0, 1, 1, 1], [], []>, transpose_lhs_hint = false} : vector<1280x64xf32>, vector<1280x64xf32>, vector<64x64xf32> -> vector<64x64xf32>
    %mul3A_164 = arith.mulf %dot_general3A_163, %dot_general3A_163 : vector<64x64xf32>
    %reduce_sum3A_165 = vector.shape_cast %mul3A_164 : vector<64x64xf32> to vector<1x64x64xf32>
    %reduce_sum3A_166 = arith.constant dense<0.000000e+00> : vector<1xf32>
    %reduce_sum3A_167 = vector.multi_reduction <add>, %reduce_sum3A_165, %reduce_sum3A_166 [1, 2] : vector<1x64x64xf32> to vector<1xf32>
    %reduce_sum3A_168 = vector.shape_cast %reduce_sum3A_167 : vector<1xf32> to vector<1x1x1xf32>
    %reduce_sum3A_169 = vector.extract %reduce_sum3A_168[0, 0, 0] : f32 from vector<1x1x1xf32>
    %add3A_170 = arith.addf %add3A_148, %reduce_sum3A_169 : f32
    %concatenate3A = tpu.concatenate %dot_general3A_9, %dot_general3A_29, %dot_general3A_51, %dot_general3A_73, %dot_general3A_95, %dot_general3A_117, %dot_general3A_139, %dot_general3A_161 in 0 : vector<64x64xf32>, vector<64x64xf32>, vector<64x64xf32>, vector<64x64xf32>, vector<64x64xf32>, vector<64x64xf32>, vector<64x64xf32>, vector<64x64xf32> -> vector<512x64xf32>
    %iota3A = tpu.iota {dimensions = array<i32: 0>} : vector<512x512xi32>
    %jit3A = arith.constant 64 : i32
    %div3A = vector.broadcast %jit3A : i32 to vector<512x512xi32>
    %div3A_171 = arith.divsi %iota3A, %div3A : vector<512x512xi32>
    %sign3A = arith.constant 0 : i32
    %sign3A_172 = vector.broadcast %sign3A : i32 to vector<512x512xi32>
    %sign3A_173 = arith.cmpi sgt, %iota3A, %sign3A_172 : vector<512x512xi32>
    %sign3A_174 = arith.extui %sign3A_173 : vector<512x512xi1> to vector<512x512xi32>
    %sign3A_175 = arith.constant 0 : i32
    %sign3A_176 = vector.broadcast %sign3A_175 : i32 to vector<512x512xi32>
    %sign3A_177 = arith.cmpi slt, %iota3A, %sign3A_176 : vector<512x512xi32>
    %sign3A_178 = arith.extui %sign3A_177 : vector<512x512xi1> to vector<512x512xi32>
    %sign3A_179 = arith.subi %sign3A_174, %sign3A_178 : vector<512x512xi32>
    %sign3A_180 = arith.constant 0 : i32
    %sign3A_181 = arith.cmpi sgt, %jit3A, %sign3A_180 : i32
    %sign3A_182 = arith.extui %sign3A_181 : i1 to i32
    %sign3A_183 = arith.constant 0 : i32
    %sign3A_184 = arith.cmpi slt, %jit3A, %sign3A_183 : i32
    %sign3A_185 = arith.extui %sign3A_184 : i1 to i32
    %sign3A_186 = arith.subi %sign3A_182, %sign3A_185 : i32
    %ne3A = vector.broadcast %sign3A_186 : i32 to vector<512x512xi32>
    %ne3A_187 = arith.cmpi ne, %sign3A_179, %ne3A : vector<512x512xi32>
    %rem3A = vector.broadcast %jit3A : i32 to vector<512x512xi32>
    %rem3A_188 = arith.remsi %iota3A, %rem3A : vector<512x512xi32>
    %ne3A_189 = arith.constant 0 : i32
    %ne3A_190 = vector.broadcast %ne3A_189 : i32 to vector<512x512xi32>
    %ne3A_191 = arith.cmpi ne, %rem3A_188, %ne3A_190 : vector<512x512xi32>
    %and3A = arith.andi %ne3A_187, %ne3A_191 : vector<512x512xi1>
    %sub3A = arith.constant 1 : i32
    %sub3A_192 = vector.broadcast %sub3A : i32 to vector<512x512xi32>
    %sub3A_193 = arith.subi %div3A_171, %sub3A_192 : vector<512x512xi32>
    %select_n3A = arith.select %and3A, %sub3A_193, %div3A_171 : vector<512x512xi1>, vector<512x512xi32>
    %iota3A_194 = tpu.iota {dimensions = array<i32: 1>} : vector<512x512xi32>
    %jit3A_195 = arith.constant 64 : i32
    %div3A_196 = vector.broadcast %jit3A_195 : i32 to vector<512x512xi32>
    %div3A_197 = arith.divsi %iota3A_194, %div3A_196 : vector<512x512xi32>
    %sign3A_198 = arith.constant 0 : i32
    %sign3A_199 = vector.broadcast %sign3A_198 : i32 to vector<512x512xi32>
    %sign3A_200 = arith.cmpi sgt, %iota3A_194, %sign3A_199 : vector<512x512xi32>
    %sign3A_201 = arith.extui %sign3A_200 : vector<512x512xi1> to vector<512x512xi32>
    %sign3A_202 = arith.constant 0 : i32
    %sign3A_203 = vector.broadcast %sign3A_202 : i32 to vector<512x512xi32>
    %sign3A_204 = arith.cmpi slt, %iota3A_194, %sign3A_203 : vector<512x512xi32>
    %sign3A_205 = arith.extui %sign3A_204 : vector<512x512xi1> to vector<512x512xi32>
    %sign3A_206 = arith.subi %sign3A_201, %sign3A_205 : vector<512x512xi32>
    %sign3A_207 = arith.constant 0 : i32
    %sign3A_208 = arith.cmpi sgt, %jit3A_195, %sign3A_207 : i32
    %sign3A_209 = arith.extui %sign3A_208 : i1 to i32
    %sign3A_210 = arith.constant 0 : i32
    %sign3A_211 = arith.cmpi slt, %jit3A_195, %sign3A_210 : i32
    %sign3A_212 = arith.extui %sign3A_211 : i1 to i32
    %sign3A_213 = arith.subi %sign3A_209, %sign3A_212 : i32
    %ne3A_214 = vector.broadcast %sign3A_213 : i32 to vector<512x512xi32>
    %ne3A_215 = arith.cmpi ne, %sign3A_206, %ne3A_214 : vector<512x512xi32>
    %rem3A_216 = vector.broadcast %jit3A_195 : i32 to vector<512x512xi32>
    %rem3A_217 = arith.remsi %iota3A_194, %rem3A_216 : vector<512x512xi32>
    %ne3A_218 = arith.constant 0 : i32
    %ne3A_219 = vector.broadcast %ne3A_218 : i32 to vector<512x512xi32>
    %ne3A_220 = arith.cmpi ne, %rem3A_217, %ne3A_219 : vector<512x512xi32>
    %and3A_221 = arith.andi %ne3A_215, %ne3A_220 : vector<512x512xi1>
    %sub3A_222 = arith.constant 1 : i32
    %sub3A_223 = vector.broadcast %sub3A_222 : i32 to vector<512x512xi32>
    %sub3A_224 = arith.subi %div3A_197, %sub3A_223 : vector<512x512xi32>
    %select_n3A_225 = arith.select %and3A_221, %sub3A_224, %div3A_197 : vector<512x512xi1>, vector<512x512xi32>
    %eq3A = arith.cmpi eq, %select_n3A, %select_n3A_225 : vector<512x512xi32>
    %jit3A_226 = arith.constant 1.000000e+00 : f32
    %jit3A_227 = arith.constant 0.000000e+00 : f32
    %broadcast_in_dim3A = vector.broadcast %jit3A_226 : f32 to vector<512x512xf32>
    %broadcast_in_dim3A_228 = vector.broadcast %jit3A_227 : f32 to vector<512x512xf32>
    %select_n3A_229 = arith.select %eq3A, %broadcast_in_dim3A, %broadcast_in_dim3A_228 : vector<512x512xi1>, vector<512x512xf32>
    %iota3A_230 = tpu.iota {dimensions = array<i32: 0>} : vector<8x512xi32>
    %iota3A_231 = tpu.iota {dimensions = array<i32: 1>} : vector<8x512xi32>
    %jit3A_232 = arith.constant 64 : i32
    %div3A_233 = vector.broadcast %jit3A_232 : i32 to vector<8x512xi32>
    %div3A_234 = arith.divsi %iota3A_231, %div3A_233 : vector<8x512xi32>
    %sign3A_235 = arith.constant 0 : i32
    %sign3A_236 = vector.broadcast %sign3A_235 : i32 to vector<8x512xi32>
    %sign3A_237 = arith.cmpi sgt, %iota3A_231, %sign3A_236 : vector<8x512xi32>
    %sign3A_238 = arith.extui %sign3A_237 : vector<8x512xi1> to vector<8x512xi32>
    %sign3A_239 = arith.constant 0 : i32
    %sign3A_240 = vector.broadcast %sign3A_239 : i32 to vector<8x512xi32>
    %sign3A_241 = arith.cmpi slt, %iota3A_231, %sign3A_240 : vector<8x512xi32>
    %sign3A_242 = arith.extui %sign3A_241 : vector<8x512xi1> to vector<8x512xi32>
    %sign3A_243 = arith.subi %sign3A_238, %sign3A_242 : vector<8x512xi32>
    %sign3A_244 = arith.constant 0 : i32
    %sign3A_245 = arith.cmpi sgt, %jit3A_232, %sign3A_244 : i32
    %sign3A_246 = arith.extui %sign3A_245 : i1 to i32
    %sign3A_247 = arith.constant 0 : i32
    %sign3A_248 = arith.cmpi slt, %jit3A_232, %sign3A_247 : i32
    %sign3A_249 = arith.extui %sign3A_248 : i1 to i32
    %sign3A_250 = arith.subi %sign3A_246, %sign3A_249 : i32
    %ne3A_251 = vector.broadcast %sign3A_250 : i32 to vector<8x512xi32>
    %ne3A_252 = arith.cmpi ne, %sign3A_243, %ne3A_251 : vector<8x512xi32>
    %rem3A_253 = vector.broadcast %jit3A_232 : i32 to vector<8x512xi32>
    %rem3A_254 = arith.remsi %iota3A_231, %rem3A_253 : vector<8x512xi32>
    %ne3A_255 = arith.constant 0 : i32
    %ne3A_256 = vector.broadcast %ne3A_255 : i32 to vector<8x512xi32>
    %ne3A_257 = arith.cmpi ne, %rem3A_254, %ne3A_256 : vector<8x512xi32>
    %and3A_258 = arith.andi %ne3A_252, %ne3A_257 : vector<8x512xi1>
    %sub3A_259 = arith.constant 1 : i32
    %sub3A_260 = vector.broadcast %sub3A_259 : i32 to vector<8x512xi32>
    %sub3A_261 = arith.subi %div3A_234, %sub3A_260 : vector<8x512xi32>
    %select_n3A_262 = arith.select %and3A_258, %sub3A_261, %div3A_234 : vector<8x512xi1>, vector<8x512xi32>
    %eq3A_263 = arith.cmpi eq, %iota3A_230, %select_n3A_262 : vector<8x512xi32>
    %jit3A_264 = arith.constant 1.000000e+00 : f32
    %jit3A_265 = arith.constant 0.000000e+00 : f32
    %broadcast_in_dim3A_266 = vector.broadcast %jit3A_264 : f32 to vector<8x512xf32>
    %broadcast_in_dim3A_267 = vector.broadcast %jit3A_265 : f32 to vector<8x512xf32>
    %select_n3A_268 = arith.select %eq3A_263, %broadcast_in_dim3A_266, %broadcast_in_dim3A_267 : vector<8x512xi1>, vector<8x512xf32>
    %get3A_269 = arith.constant 0 : index
    %get3A_270 = arith.constant 0 : index
    %get3A_271 = vector.load %arg3[%get3A_269, %get3A_270] : memref<64x64xf32, #tpu.memory_space<vmem>>, vector<64x64xf32>
    %get3A_272 = arith.constant 0 : index
    %get3A_273 = vector.load %arg4[%get3A_272] : memref<64xf32, #tpu.memory_space<vmem>>, vector<64xf32>
    %dot_general3A_274 = arith.constant dense<0.000000e+00> : vector<512x64xf32>
    %dot_general3A_275 = tpu.matmul %concatenate3A, %get3A_271, %dot_general3A_274 {dimension_numbers = #tpu.dot_dimension_numbers<[1], [0], [0], [1], [0, 0, 1, 1], [], []>, transpose_lhs_hint = false} : vector<512x64xf32>, vector<64x64xf32>, vector<512x64xf32> -> vector<512x64xf32>
    %dot_general3A_276 = arith.constant dense<0.000000e+00> : vector<512x64xf32>
    %dot_general3A_277 = tpu.matmul %select_n3A_229, %dot_general3A_275, %dot_general3A_276 {dimension_numbers = #tpu.dot_dimension_numbers<[1], [0], [0], [1], [0, 0, 1, 1], [], []>, transpose_lhs_hint = false} : vector<512x512xf32>, vector<512x64xf32>, vector<512x64xf32> -> vector<512x64xf32>
    %add3A_278 = arith.addf %dot_general3A_277, %dot_general3A_275 : vector<512x64xf32>
    %div3A_279 = arith.constant 6.500000e+01 : f32
    %div3A_280 = vector.broadcast %div3A_279 : f32 to vector<512x64xf32>
    %div3A_281 = arith.divf %add3A_278, %div3A_280 : vector<512x64xf32>
    %broadcast_in_dim3A_282 = vector.shape_cast %get3A_273 : vector<64xf32> to vector<1x64xf32>
    %add3A_283 = vector.broadcast %broadcast_in_dim3A_282 : vector<1x64xf32> to vector<512x64xf32>
    %add3A_284 = arith.addf %div3A_281, %add3A_283 : vector<512x64xf32>
    %max3A = arith.constant 0.000000e+00 : f32
    %max3A_285 = vector.broadcast %max3A : f32 to vector<512x64xf32>
    %max3A_286 = arith.maximumf %add3A_284, %max3A_285 : vector<512x64xf32>
    %get3A_287 = arith.constant 0 : index
    %get3A_288 = vector.load %arg5[%get3A_287] : memref<64xf32, #tpu.memory_space<vmem>>, vector<64xf32>
    %get3A_289 = arith.constant 0 : index
    %get3A_290 = vector.load %arg6[%get3A_289] : memref<64xf32, #tpu.memory_space<vmem>>, vector<64xf32>
    %reduce_sum3A_291 = arith.constant dense<0.000000e+00> : vector<64xf32>
    %reduce_sum3A_292 = vector.multi_reduction <add>, %max3A_286, %reduce_sum3A_291 [0] : vector<512x64xf32> to vector<64xf32>
    %div3A_293 = arith.constant 5.120000e+02 : f32
    %div3A_294 = vector.broadcast %div3A_293 : f32 to vector<64xf32>
    %div3A_295 = arith.divf %reduce_sum3A_292, %div3A_294 : vector<64xf32>
    %mul3A_296 = arith.mulf %max3A_286, %max3A_286 : vector<512x64xf32>
    %reduce_sum3A_297 = arith.constant dense<0.000000e+00> : vector<64xf32>
    %reduce_sum3A_298 = vector.multi_reduction <add>, %mul3A_296, %reduce_sum3A_297 [0] : vector<512x64xf32> to vector<64xf32>
    %div3A_299 = arith.constant 5.120000e+02 : f32
    %div3A_300 = vector.broadcast %div3A_299 : f32 to vector<64xf32>
    %div3A_301 = arith.divf %reduce_sum3A_298, %div3A_300 : vector<64xf32>
    %mul3A_302 = arith.mulf %div3A_295, %div3A_295 : vector<64xf32>
    %sub3A_303 = arith.subf %div3A_301, %mul3A_302 : vector<64xf32>
    %broadcast_in_dim3A_304 = vector.shape_cast %div3A_295 : vector<64xf32> to vector<1x64xf32>
    %sub3A_305 = vector.broadcast %broadcast_in_dim3A_304 : vector<1x64xf32> to vector<512x64xf32>
    %sub3A_306 = arith.subf %max3A_286, %sub3A_305 : vector<512x64xf32>
    %add3A_307 = arith.constant 9.99999974E-6 : f32
    %add3A_308 = vector.broadcast %add3A_307 : f32 to vector<64xf32>
    %add3A_309 = arith.addf %sub3A_303, %add3A_308 : vector<64xf32>
    %sqrt3A = math.sqrt %add3A_309 : vector<64xf32>
    %broadcast_in_dim3A_310 = vector.shape_cast %sqrt3A : vector<64xf32> to vector<1x64xf32>
    %div3A_311 = vector.broadcast %broadcast_in_dim3A_310 : vector<1x64xf32> to vector<512x64xf32>
    %div3A_312 = arith.divf %sub3A_306, %div3A_311 : vector<512x64xf32>
    %broadcast_in_dim3A_313 = vector.shape_cast %get3A_288 : vector<64xf32> to vector<1x64xf32>
    %mul3A_314 = vector.broadcast %broadcast_in_dim3A_313 : vector<1x64xf32> to vector<512x64xf32>
    %mul3A_315 = arith.mulf %div3A_312, %mul3A_314 : vector<512x64xf32>
    %broadcast_in_dim3A_316 = vector.shape_cast %get3A_290 : vector<64xf32> to vector<1x64xf32>
    %add3A_317 = vector.broadcast %broadcast_in_dim3A_316 : vector<1x64xf32> to vector<512x64xf32>
    %add3A_318 = arith.addf %mul3A_315, %add3A_317 : vector<512x64xf32>
    %get3A_319 = arith.constant 0 : index
    %get3A_320 = arith.constant 0 : index
    %get3A_321 = vector.load %arg7[%get3A_319, %get3A_320] : memref<64x64xf32, #tpu.memory_space<vmem>>, vector<64x64xf32>
    %get3A_322 = arith.constant 0 : index
    %get3A_323 = vector.load %arg8[%get3A_322] : memref<64xf32, #tpu.memory_space<vmem>>, vector<64xf32>
    %dot_general3A_324 = arith.constant dense<0.000000e+00> : vector<512x64xf32>
    %dot_general3A_325 = tpu.matmul %add3A_318, %get3A_321, %dot_general3A_324 {dimension_numbers = #tpu.dot_dimension_numbers<[1], [0], [0], [1], [0, 0, 1, 1], [], []>, transpose_lhs_hint = false} : vector<512x64xf32>, vector<64x64xf32>, vector<512x64xf32> -> vector<512x64xf32>
    %dot_general3A_326 = arith.constant dense<0.000000e+00> : vector<512x64xf32>
    %dot_general3A_327 = tpu.matmul %select_n3A_229, %dot_general3A_325, %dot_general3A_326 {dimension_numbers = #tpu.dot_dimension_numbers<[1], [0], [0], [1], [0, 0, 1, 1], [], []>, transpose_lhs_hint = false} : vector<512x512xf32>, vector<512x64xf32>, vector<512x64xf32> -> vector<512x64xf32>
    %add3A_328 = arith.addf %dot_general3A_327, %dot_general3A_325 : vector<512x64xf32>
    %div3A_329 = arith.constant 6.500000e+01 : f32
    %div3A_330 = vector.broadcast %div3A_329 : f32 to vector<512x64xf32>
    %div3A_331 = arith.divf %add3A_328, %div3A_330 : vector<512x64xf32>
    %broadcast_in_dim3A_332 = vector.shape_cast %get3A_323 : vector<64xf32> to vector<1x64xf32>
    %add3A_333 = vector.broadcast %broadcast_in_dim3A_332 : vector<1x64xf32> to vector<512x64xf32>
    %add3A_334 = arith.addf %div3A_331, %add3A_333 : vector<512x64xf32>
    %max3A_335 = arith.constant 0.000000e+00 : f32
    %max3A_336 = vector.broadcast %max3A_335 : f32 to vector<512x64xf32>
    %max3A_337 = arith.maximumf %add3A_334, %max3A_336 : vector<512x64xf32>
    %get3A_338 = arith.constant 0 : index
    %get3A_339 = vector.load %arg9[%get3A_338] : memref<64xf32, #tpu.memory_space<vmem>>, vector<64xf32>
    %get3A_340 = arith.constant 0 : index
    %get3A_341 = vector.load %arg10[%get3A_340] : memref<64xf32, #tpu.memory_space<vmem>>, vector<64xf32>
    %reduce_sum3A_342 = arith.constant dense<0.000000e+00> : vector<64xf32>
    %reduce_sum3A_343 = vector.multi_reduction <add>, %max3A_337, %reduce_sum3A_342 [0] : vector<512x64xf32> to vector<64xf32>
    %div3A_344 = arith.constant 5.120000e+02 : f32
    %div3A_345 = vector.broadcast %div3A_344 : f32 to vector<64xf32>
    %div3A_346 = arith.divf %reduce_sum3A_343, %div3A_345 : vector<64xf32>
    %mul3A_347 = arith.mulf %max3A_337, %max3A_337 : vector<512x64xf32>
    %reduce_sum3A_348 = arith.constant dense<0.000000e+00> : vector<64xf32>
    %reduce_sum3A_349 = vector.multi_reduction <add>, %mul3A_347, %reduce_sum3A_348 [0] : vector<512x64xf32> to vector<64xf32>
    %div3A_350 = arith.constant 5.120000e+02 : f32
    %div3A_351 = vector.broadcast %div3A_350 : f32 to vector<64xf32>
    %div3A_352 = arith.divf %reduce_sum3A_349, %div3A_351 : vector<64xf32>
    %mul3A_353 = arith.mulf %div3A_346, %div3A_346 : vector<64xf32>
    %sub3A_354 = arith.subf %div3A_352, %mul3A_353 : vector<64xf32>
    %broadcast_in_dim3A_355 = vector.shape_cast %div3A_346 : vector<64xf32> to vector<1x64xf32>
    %sub3A_356 = vector.broadcast %broadcast_in_dim3A_355 : vector<1x64xf32> to vector<512x64xf32>
    %sub3A_357 = arith.subf %max3A_337, %sub3A_356 : vector<512x64xf32>
    %add3A_358 = arith.constant 9.99999974E-6 : f32
    %add3A_359 = vector.broadcast %add3A_358 : f32 to vector<64xf32>
    %add3A_360 = arith.addf %sub3A_354, %add3A_359 : vector<64xf32>
    %sqrt3A_361 = math.sqrt %add3A_360 : vector<64xf32>
    %broadcast_in_dim3A_362 = vector.shape_cast %sqrt3A_361 : vector<64xf32> to vector<1x64xf32>
    %div3A_363 = vector.broadcast %broadcast_in_dim3A_362 : vector<1x64xf32> to vector<512x64xf32>
    %div3A_364 = arith.divf %sub3A_357, %div3A_363 : vector<512x64xf32>
    %broadcast_in_dim3A_365 = vector.shape_cast %get3A_339 : vector<64xf32> to vector<1x64xf32>
    %mul3A_366 = vector.broadcast %broadcast_in_dim3A_365 : vector<1x64xf32> to vector<512x64xf32>
    %mul3A_367 = arith.mulf %div3A_364, %mul3A_366 : vector<512x64xf32>
    %broadcast_in_dim3A_368 = vector.shape_cast %get3A_341 : vector<64xf32> to vector<1x64xf32>
    %add3A_369 = vector.broadcast %broadcast_in_dim3A_368 : vector<1x64xf32> to vector<512x64xf32>
    %add3A_370 = arith.addf %mul3A_367, %add3A_369 : vector<512x64xf32>
    %get3A_371 = arith.constant 0 : index
    %get3A_372 = arith.constant 0 : index
    %get3A_373 = vector.load %arg11[%get3A_371, %get3A_372] : memref<64x64xf32, #tpu.memory_space<vmem>>, vector<64x64xf32>
    %get3A_374 = arith.constant 0 : index
    %get3A_375 = vector.load %arg12[%get3A_374] : memref<64xf32, #tpu.memory_space<vmem>>, vector<64xf32>
    %dot_general3A_376 = arith.constant dense<0.000000e+00> : vector<512x64xf32>
    %dot_general3A_377 = tpu.matmul %add3A_370, %get3A_373, %dot_general3A_376 {dimension_numbers = #tpu.dot_dimension_numbers<[1], [0], [0], [1], [0, 0, 1, 1], [], []>, transpose_lhs_hint = false} : vector<512x64xf32>, vector<64x64xf32>, vector<512x64xf32> -> vector<512x64xf32>
    %dot_general3A_378 = arith.constant dense<0.000000e+00> : vector<512x64xf32>
    %dot_general3A_379 = tpu.matmul %select_n3A_229, %dot_general3A_377, %dot_general3A_378 {dimension_numbers = #tpu.dot_dimension_numbers<[1], [0], [0], [1], [0, 0, 1, 1], [], []>, transpose_lhs_hint = false} : vector<512x512xf32>, vector<512x64xf32>, vector<512x64xf32> -> vector<512x64xf32>
    %add3A_380 = arith.addf %dot_general3A_379, %dot_general3A_377 : vector<512x64xf32>
    %div3A_381 = arith.constant 6.500000e+01 : f32
    %div3A_382 = vector.broadcast %div3A_381 : f32 to vector<512x64xf32>
    %div3A_383 = arith.divf %add3A_380, %div3A_382 : vector<512x64xf32>
    %broadcast_in_dim3A_384 = vector.shape_cast %get3A_375 : vector<64xf32> to vector<1x64xf32>
    %add3A_385 = vector.broadcast %broadcast_in_dim3A_384 : vector<1x64xf32> to vector<512x64xf32>
    %add3A_386 = arith.addf %div3A_383, %add3A_385 : vector<512x64xf32>
    %max3A_387 = arith.constant 0.000000e+00 : f32
    %max3A_388 = vector.broadcast %max3A_387 : f32 to vector<512x64xf32>
    %max3A_389 = arith.maximumf %add3A_386, %max3A_388 : vector<512x64xf32>
    %get3A_390 = arith.constant 0 : index
    %get3A_391 = vector.load %arg13[%get3A_390] : memref<64xf32, #tpu.memory_space<vmem>>, vector<64xf32>
    %get3A_392 = arith.constant 0 : index
    %get3A_393 = vector.load %arg14[%get3A_392] : memref<64xf32, #tpu.memory_space<vmem>>, vector<64xf32>
    %reduce_sum3A_394 = arith.constant dense<0.000000e+00> : vector<64xf32>
    %reduce_sum3A_395 = vector.multi_reduction <add>, %max3A_389, %reduce_sum3A_394 [0] : vector<512x64xf32> to vector<64xf32>
    %div3A_396 = arith.constant 5.120000e+02 : f32
    %div3A_397 = vector.broadcast %div3A_396 : f32 to vector<64xf32>
    %div3A_398 = arith.divf %reduce_sum3A_395, %div3A_397 : vector<64xf32>
    %mul3A_399 = arith.mulf %max3A_389, %max3A_389 : vector<512x64xf32>
    %reduce_sum3A_400 = arith.constant dense<0.000000e+00> : vector<64xf32>
    %reduce_sum3A_401 = vector.multi_reduction <add>, %mul3A_399, %reduce_sum3A_400 [0] : vector<512x64xf32> to vector<64xf32>
    %div3A_402 = arith.constant 5.120000e+02 : f32
    %div3A_403 = vector.broadcast %div3A_402 : f32 to vector<64xf32>
    %div3A_404 = arith.divf %reduce_sum3A_401, %div3A_403 : vector<64xf32>
    %mul3A_405 = arith.mulf %div3A_398, %div3A_398 : vector<64xf32>
    %sub3A_406 = arith.subf %div3A_404, %mul3A_405 : vector<64xf32>
    %broadcast_in_dim3A_407 = vector.shape_cast %div3A_398 : vector<64xf32> to vector<1x64xf32>
    %sub3A_408 = vector.broadcast %broadcast_in_dim3A_407 : vector<1x64xf32> to vector<512x64xf32>
    %sub3A_409 = arith.subf %max3A_389, %sub3A_408 : vector<512x64xf32>
    %add3A_410 = arith.constant 9.99999974E-6 : f32
    %add3A_411 = vector.broadcast %add3A_410 : f32 to vector<64xf32>
    %add3A_412 = arith.addf %sub3A_406, %add3A_411 : vector<64xf32>
    %sqrt3A_413 = math.sqrt %add3A_412 : vector<64xf32>
    %broadcast_in_dim3A_414 = vector.shape_cast %sqrt3A_413 : vector<64xf32> to vector<1x64xf32>
    %div3A_415 = vector.broadcast %broadcast_in_dim3A_414 : vector<1x64xf32> to vector<512x64xf32>
    %div3A_416 = arith.divf %sub3A_409, %div3A_415 : vector<512x64xf32>
    %broadcast_in_dim3A_417 = vector.shape_cast %get3A_391 : vector<64xf32> to vector<1x64xf32>
    %mul3A_418 = vector.broadcast %broadcast_in_dim3A_417 : vector<1x64xf32> to vector<512x64xf32>
    %mul3A_419 = arith.mulf %div3A_416, %mul3A_418 : vector<512x64xf32>
    %broadcast_in_dim3A_420 = vector.shape_cast %get3A_393 : vector<64xf32> to vector<1x64xf32>
    %add3A_421 = vector.broadcast %broadcast_in_dim3A_420 : vector<1x64xf32> to vector<512x64xf32>
    %add3A_422 = arith.addf %mul3A_419, %add3A_421 : vector<512x64xf32>
    %get3A_423 = arith.constant 0 : index
    %get3A_424 = arith.constant 0 : index
    %get3A_425 = vector.load %arg15[%get3A_423, %get3A_424] : memref<64x64xf32, #tpu.memory_space<vmem>>, vector<64x64xf32>
    %dot_general3A_426 = arith.constant dense<0.000000e+00> : vector<512x64xf32>
    %dot_general3A_427 = tpu.matmul %add3A_422, %get3A_425, %dot_general3A_426 {dimension_numbers = #tpu.dot_dimension_numbers<[1], [0], [0], [1], [0, 0, 1, 1], [], []>, transpose_lhs_hint = false} : vector<512x64xf32>, vector<64x64xf32>, vector<512x64xf32> -> vector<512x64xf32>
    %get3A_428 = arith.constant 0 : index
    %get3A_429 = vector.load %arg16[%get3A_428] : memref<64xf32, #tpu.memory_space<vmem>>, vector<64xf32>
    %broadcast_in_dim3A_430 = vector.shape_cast %get3A_429 : vector<64xf32> to vector<1x64xf32>
    %add3A_431 = vector.broadcast %broadcast_in_dim3A_430 : vector<1x64xf32> to vector<512x64xf32>
    %add3A_432 = arith.addf %dot_general3A_427, %add3A_431 : vector<512x64xf32>
    %max3A_433 = arith.constant 0.000000e+00 : f32
    %max3A_434 = vector.broadcast %max3A_433 : f32 to vector<512x64xf32>
    %max3A_435 = arith.maximumf %add3A_432, %max3A_434 : vector<512x64xf32>
    %reduce_max3A = arith.constant dense<0xFF800000> : vector<512xf32>
    %reduce_max3A_436 = vector.multi_reduction <maximumf>, %max3A_435, %reduce_max3A [1] : vector<512x64xf32> to vector<512xf32>
    %broadcast_in_dim3A_437 = vector.shape_cast %reduce_max3A_436 : vector<512xf32> to vector<512x1xf32>
    %sub3A_438 = vector.broadcast %broadcast_in_dim3A_437 : vector<512x1xf32> to vector<512x64xf32>
    %sub3A_439 = arith.subf %max3A_435, %sub3A_438 : vector<512x64xf32>
    %exp3A = math.exp %sub3A_439 : vector<512x64xf32>
    %reduce_sum3A_440 = arith.constant dense<0.000000e+00> : vector<512xf32>
    %reduce_sum3A_441 = vector.multi_reduction <add>, %exp3A, %reduce_sum3A_440 [1] : vector<512x64xf32> to vector<512xf32>
    %broadcast_in_dim3A_442 = vector.shape_cast %reduce_sum3A_441 : vector<512xf32> to vector<512x1xf32>
    %div3A_443 = vector.broadcast %broadcast_in_dim3A_442 : vector<512x1xf32> to vector<512x64xf32>
    %div3A_444 = arith.divf %exp3A, %div3A_443 : vector<512x64xf32>
    %neg3A = arith.constant 0.000000e+00 : f32
    %neg3A_445 = vector.broadcast %neg3A : f32 to vector<512x64xf32>
    %neg3A_446 = arith.subf %neg3A_445, %div3A_444 : vector<512x64xf32>
    %add3A_447 = arith.constant 1.000000e-15 : f32
    %add3A_448 = vector.broadcast %add3A_447 : f32 to vector<512x64xf32>
    %add3A_449 = arith.addf %div3A_444, %add3A_448 : vector<512x64xf32>
    %log3A = math.log %add3A_449 : vector<512x64xf32>
    %mul3A_450 = arith.mulf %neg3A_446, %log3A : vector<512x64xf32>
    %reduce_sum3A_451 = vector.shape_cast %mul3A_450 : vector<512x64xf32> to vector<1x512x64xf32>
    %reduce_sum3A_452 = arith.constant dense<0.000000e+00> : vector<1xf32>
    %reduce_sum3A_453 = vector.multi_reduction <add>, %reduce_sum3A_451, %reduce_sum3A_452 [1, 2] : vector<1x512x64xf32> to vector<1xf32>
    %reduce_sum3A_454 = vector.shape_cast %reduce_sum3A_453 : vector<1xf32> to vector<1x1x1xf32>
    %reduce_sum3A_455 = vector.extract %reduce_sum3A_454[0, 0, 0] : f32 from vector<1x1x1xf32>
    %div3A_456 = arith.constant 5.120000e+02 : f32
    %div3A_457 = arith.divf %reduce_sum3A_455, %div3A_456 : f32
    %dot_general3A_458 = arith.constant dense<0.000000e+00> : vector<8x64xf32>
    %dot_general3A_459 = tpu.matmul %select_n3A_268, %div3A_444, %dot_general3A_458 {dimension_numbers = #tpu.dot_dimension_numbers<[1], [0], [0], [1], [0, 0, 1, 1], [], []>, transpose_lhs_hint = false} : vector<8x512xf32>, vector<512x64xf32>, vector<8x64xf32> -> vector<8x64xf32>
    %mul3A_460 = arith.mulf %dot_general3A_459, %dot_general3A_459 : vector<8x64xf32>
    %reduce_sum3A_461 = vector.shape_cast %mul3A_460 : vector<8x64xf32> to vector<1x8x64xf32>
    %reduce_sum3A_462 = arith.constant dense<0.000000e+00> : vector<1xf32>
    %reduce_sum3A_463 = vector.multi_reduction <add>, %reduce_sum3A_461, %reduce_sum3A_462 [1, 2] : vector<1x8x64xf32> to vector<1xf32>
    %reduce_sum3A_464 = vector.shape_cast %reduce_sum3A_463 : vector<1xf32> to vector<1x1x1xf32>
    %reduce_sum3A_465 = vector.extract %reduce_sum3A_464[0, 0, 0] : f32 from vector<1x1x1xf32>
    %get3A_466 = arith.constant 0 : index
    %get3A_467 = arith.constant 0 : index
    %get3A_468 = vector.load %arg17[%get3A_466, %get3A_467] : memref<64x64xf32, #tpu.memory_space<vmem>>, vector<64x64xf32>
    %get3A_469 = arith.constant 0 : index
    %get3A_470 = vector.load %arg18[%get3A_469] : memref<64xf32, #tpu.memory_space<vmem>>, vector<64xf32>
    %dot_general3A_471 = arith.constant dense<0.000000e+00> : vector<512x64xf32>
    %dot_general3A_472 = tpu.matmul %concatenate3A, %get3A_468, %dot_general3A_471 {dimension_numbers = #tpu.dot_dimension_numbers<[1], [0], [0], [1], [0, 0, 1, 1], [], []>, transpose_lhs_hint = false} : vector<512x64xf32>, vector<64x64xf32>, vector<512x64xf32> -> vector<512x64xf32>
    %dot_general3A_473 = arith.constant dense<0.000000e+00> : vector<512x64xf32>
    %dot_general3A_474 = tpu.matmul %select_n3A_229, %dot_general3A_472, %dot_general3A_473 {dimension_numbers = #tpu.dot_dimension_numbers<[1], [0], [0], [1], [0, 0, 1, 1], [], []>, transpose_lhs_hint = false} : vector<512x512xf32>, vector<512x64xf32>, vector<512x64xf32> -> vector<512x64xf32>
    %add3A_475 = arith.addf %dot_general3A_474, %dot_general3A_472 : vector<512x64xf32>
    %div3A_476 = arith.constant 6.500000e+01 : f32
    %div3A_477 = vector.broadcast %div3A_476 : f32 to vector<512x64xf32>
    %div3A_478 = arith.divf %add3A_475, %div3A_477 : vector<512x64xf32>
    %broadcast_in_dim3A_479 = vector.shape_cast %get3A_470 : vector<64xf32> to vector<1x64xf32>
    %add3A_480 = vector.broadcast %broadcast_in_dim3A_479 : vector<1x64xf32> to vector<512x64xf32>
    %add3A_481 = arith.addf %div3A_478, %add3A_480 : vector<512x64xf32>
    %max3A_482 = arith.constant 0.000000e+00 : f32
    %max3A_483 = vector.broadcast %max3A_482 : f32 to vector<512x64xf32>
    %max3A_484 = arith.maximumf %add3A_481, %max3A_483 : vector<512x64xf32>
    %slice3A_485 = vector.extract_strided_slice %div3A_444 {offsets = [0, 0], sizes = [64, 64], strides = [1, 1]} : vector<512x64xf32> to vector<64x64xf32>
    %dot_general3A_486 = arith.constant dense<0.000000e+00> : vector<64x64xf32>
    %dot_general3A_487 = tpu.matmul %slice3A_485, %slice3A_485, %dot_general3A_486 {dimension_numbers = #tpu.dot_dimension_numbers<[0], [0], [1], [1], [0, 1, 1, 1], [], []>, transpose_lhs_hint = false} : vector<64x64xf32>, vector<64x64xf32>, vector<64x64xf32> -> vector<64x64xf32>
    %mul3A_488 = arith.mulf %dot_general3A_487, %dot_general3A_487 : vector<64x64xf32>
    %reduce_sum3A_489 = vector.shape_cast %mul3A_488 : vector<64x64xf32> to vector<1x64x64xf32>
    %reduce_sum3A_490 = arith.constant dense<0.000000e+00> : vector<1xf32>
    %reduce_sum3A_491 = vector.multi_reduction <add>, %reduce_sum3A_489, %reduce_sum3A_490 [1, 2] : vector<1x64x64xf32> to vector<1xf32>
    %reduce_sum3A_492 = vector.shape_cast %reduce_sum3A_491 : vector<1xf32> to vector<1x1x1xf32>
    %reduce_sum3A_493 = vector.extract %reduce_sum3A_492[0, 0, 0] : f32 from vector<1x1x1xf32>
    %add3A_494 = arith.constant 0.000000e+00 : f32
    %add3A_495 = arith.addf %add3A_494, %reduce_sum3A_493 : f32
    %slice3A_496 = vector.extract_strided_slice %max3A_484 {offsets = [0, 0], sizes = [64, 64], strides = [1, 1]} : vector<512x64xf32> to vector<64x64xf32>
    %dot_general3A_497 = arith.constant dense<0.000000e+00> : vector<64x64xf32>
    %dot_general3A_498 = tpu.matmul %slice3A_485, %slice3A_496, %dot_general3A_497 {dimension_numbers = #tpu.dot_dimension_numbers<[0], [0], [1], [1], [0, 1, 1, 1], [], []>, transpose_lhs_hint = false} : vector<64x64xf32>, vector<64x64xf32>, vector<64x64xf32> -> vector<64x64xf32>
    %slice3A_499 = vector.extract_strided_slice %div3A_444 {offsets = [64, 0], sizes = [64, 64], strides = [1, 1]} : vector<512x64xf32> to vector<64x64xf32>
    %dot_general3A_500 = arith.constant dense<0.000000e+00> : vector<64x64xf32>
    %dot_general3A_501 = tpu.matmul %slice3A_499, %slice3A_499, %dot_general3A_500 {dimension_numbers = #tpu.dot_dimension_numbers<[0], [0], [1], [1], [0, 1, 1, 1], [], []>, transpose_lhs_hint = false} : vector<64x64xf32>, vector<64x64xf32>, vector<64x64xf32> -> vector<64x64xf32>
    %mul3A_502 = arith.mulf %dot_general3A_501, %dot_general3A_501 : vector<64x64xf32>
    %reduce_sum3A_503 = vector.shape_cast %mul3A_502 : vector<64x64xf32> to vector<1x64x64xf32>
    %reduce_sum3A_504 = arith.constant dense<0.000000e+00> : vector<1xf32>
    %reduce_sum3A_505 = vector.multi_reduction <add>, %reduce_sum3A_503, %reduce_sum3A_504 [1, 2] : vector<1x64x64xf32> to vector<1xf32>
    %reduce_sum3A_506 = vector.shape_cast %reduce_sum3A_505 : vector<1xf32> to vector<1x1x1xf32>
    %reduce_sum3A_507 = vector.extract %reduce_sum3A_506[0, 0, 0] : f32 from vector<1x1x1xf32>
    %add3A_508 = arith.addf %add3A_495, %reduce_sum3A_507 : f32
    %slice3A_509 = vector.extract_strided_slice %max3A_484 {offsets = [64, 0], sizes = [64, 64], strides = [1, 1]} : vector<512x64xf32> to vector<64x64xf32>
    %dot_general3A_510 = arith.constant dense<0.000000e+00> : vector<64x64xf32>
    %dot_general3A_511 = tpu.matmul %slice3A_499, %slice3A_509, %dot_general3A_510 {dimension_numbers = #tpu.dot_dimension_numbers<[0], [0], [1], [1], [0, 1, 1, 1], [], []>, transpose_lhs_hint = false} : vector<64x64xf32>, vector<64x64xf32>, vector<64x64xf32> -> vector<64x64xf32>
    %slice3A_512 = vector.extract_strided_slice %div3A_444 {offsets = [128, 0], sizes = [64, 64], strides = [1, 1]} : vector<512x64xf32> to vector<64x64xf32>
    %dot_general3A_513 = arith.constant dense<0.000000e+00> : vector<64x64xf32>
    %dot_general3A_514 = tpu.matmul %slice3A_512, %slice3A_512, %dot_general3A_513 {dimension_numbers = #tpu.dot_dimension_numbers<[0], [0], [1], [1], [0, 1, 1, 1], [], []>, transpose_lhs_hint = false} : vector<64x64xf32>, vector<64x64xf32>, vector<64x64xf32> -> vector<64x64xf32>
    %mul3A_515 = arith.mulf %dot_general3A_514, %dot_general3A_514 : vector<64x64xf32>
    %reduce_sum3A_516 = vector.shape_cast %mul3A_515 : vector<64x64xf32> to vector<1x64x64xf32>
    %reduce_sum3A_517 = arith.constant dense<0.000000e+00> : vector<1xf32>
    %reduce_sum3A_518 = vector.multi_reduction <add>, %reduce_sum3A_516, %reduce_sum3A_517 [1, 2] : vector<1x64x64xf32> to vector<1xf32>
    %reduce_sum3A_519 = vector.shape_cast %reduce_sum3A_518 : vector<1xf32> to vector<1x1x1xf32>
    %reduce_sum3A_520 = vector.extract %reduce_sum3A_519[0, 0, 0] : f32 from vector<1x1x1xf32>
    %add3A_521 = arith.addf %add3A_508, %reduce_sum3A_520 : f32
    %slice3A_522 = vector.extract_strided_slice %max3A_484 {offsets = [128, 0], sizes = [64, 64], strides = [1, 1]} : vector<512x64xf32> to vector<64x64xf32>
    %dot_general3A_523 = arith.constant dense<0.000000e+00> : vector<64x64xf32>
    %dot_general3A_524 = tpu.matmul %slice3A_512, %slice3A_522, %dot_general3A_523 {dimension_numbers = #tpu.dot_dimension_numbers<[0], [0], [1], [1], [0, 1, 1, 1], [], []>, transpose_lhs_hint = false} : vector<64x64xf32>, vector<64x64xf32>, vector<64x64xf32> -> vector<64x64xf32>
    %slice3A_525 = vector.extract_strided_slice %div3A_444 {offsets = [192, 0], sizes = [64, 64], strides = [1, 1]} : vector<512x64xf32> to vector<64x64xf32>
    %dot_general3A_526 = arith.constant dense<0.000000e+00> : vector<64x64xf32>
    %dot_general3A_527 = tpu.matmul %slice3A_525, %slice3A_525, %dot_general3A_526 {dimension_numbers = #tpu.dot_dimension_numbers<[0], [0], [1], [1], [0, 1, 1, 1], [], []>, transpose_lhs_hint = false} : vector<64x64xf32>, vector<64x64xf32>, vector<64x64xf32> -> vector<64x64xf32>
    %mul3A_528 = arith.mulf %dot_general3A_527, %dot_general3A_527 : vector<64x64xf32>
    %reduce_sum3A_529 = vector.shape_cast %mul3A_528 : vector<64x64xf32> to vector<1x64x64xf32>
    %reduce_sum3A_530 = arith.constant dense<0.000000e+00> : vector<1xf32>
    %reduce_sum3A_531 = vector.multi_reduction <add>, %reduce_sum3A_529, %reduce_sum3A_530 [1, 2] : vector<1x64x64xf32> to vector<1xf32>
    %reduce_sum3A_532 = vector.shape_cast %reduce_sum3A_531 : vector<1xf32> to vector<1x1x1xf32>
    %reduce_sum3A_533 = vector.extract %reduce_sum3A_532[0, 0, 0] : f32 from vector<1x1x1xf32>
    %add3A_534 = arith.addf %add3A_521, %reduce_sum3A_533 : f32
    %slice3A_535 = vector.extract_strided_slice %max3A_484 {offsets = [192, 0], sizes = [64, 64], strides = [1, 1]} : vector<512x64xf32> to vector<64x64xf32>
    %dot_general3A_536 = arith.constant dense<0.000000e+00> : vector<64x64xf32>
    %dot_general3A_537 = tpu.matmul %slice3A_525, %slice3A_535, %dot_general3A_536 {dimension_numbers = #tpu.dot_dimension_numbers<[0], [0], [1], [1], [0, 1, 1, 1], [], []>, transpose_lhs_hint = false} : vector<64x64xf32>, vector<64x64xf32>, vector<64x64xf32> -> vector<64x64xf32>
    %slice3A_538 = vector.extract_strided_slice %div3A_444 {offsets = [256, 0], sizes = [64, 64], strides = [1, 1]} : vector<512x64xf32> to vector<64x64xf32>
    %dot_general3A_539 = arith.constant dense<0.000000e+00> : vector<64x64xf32>
    %dot_general3A_540 = tpu.matmul %slice3A_538, %slice3A_538, %dot_general3A_539 {dimension_numbers = #tpu.dot_dimension_numbers<[0], [0], [1], [1], [0, 1, 1, 1], [], []>, transpose_lhs_hint = false} : vector<64x64xf32>, vector<64x64xf32>, vector<64x64xf32> -> vector<64x64xf32>
    %mul3A_541 = arith.mulf %dot_general3A_540, %dot_general3A_540 : vector<64x64xf32>
    %reduce_sum3A_542 = vector.shape_cast %mul3A_541 : vector<64x64xf32> to vector<1x64x64xf32>
    %reduce_sum3A_543 = arith.constant dense<0.000000e+00> : vector<1xf32>
    %reduce_sum3A_544 = vector.multi_reduction <add>, %reduce_sum3A_542, %reduce_sum3A_543 [1, 2] : vector<1x64x64xf32> to vector<1xf32>
    %reduce_sum3A_545 = vector.shape_cast %reduce_sum3A_544 : vector<1xf32> to vector<1x1x1xf32>
    %reduce_sum3A_546 = vector.extract %reduce_sum3A_545[0, 0, 0] : f32 from vector<1x1x1xf32>
    %add3A_547 = arith.addf %add3A_534, %reduce_sum3A_546 : f32
    %slice3A_548 = vector.extract_strided_slice %max3A_484 {offsets = [256, 0], sizes = [64, 64], strides = [1, 1]} : vector<512x64xf32> to vector<64x64xf32>
    %dot_general3A_549 = arith.constant dense<0.000000e+00> : vector<64x64xf32>
    %dot_general3A_550 = tpu.matmul %slice3A_538, %slice3A_548, %dot_general3A_549 {dimension_numbers = #tpu.dot_dimension_numbers<[0], [0], [1], [1], [0, 1, 1, 1], [], []>, transpose_lhs_hint = false} : vector<64x64xf32>, vector<64x64xf32>, vector<64x64xf32> -> vector<64x64xf32>
    %slice3A_551 = vector.extract_strided_slice %div3A_444 {offsets = [320, 0], sizes = [64, 64], strides = [1, 1]} : vector<512x64xf32> to vector<64x64xf32>
    %dot_general3A_552 = arith.constant dense<0.000000e+00> : vector<64x64xf32>
    %dot_general3A_553 = tpu.matmul %slice3A_551, %slice3A_551, %dot_general3A_552 {dimension_numbers = #tpu.dot_dimension_numbers<[0], [0], [1], [1], [0, 1, 1, 1], [], []>, transpose_lhs_hint = false} : vector<64x64xf32>, vector<64x64xf32>, vector<64x64xf32> -> vector<64x64xf32>
    %mul3A_554 = arith.mulf %dot_general3A_553, %dot_general3A_553 : vector<64x64xf32>
    %reduce_sum3A_555 = vector.shape_cast %mul3A_554 : vector<64x64xf32> to vector<1x64x64xf32>
    %reduce_sum3A_556 = arith.constant dense<0.000000e+00> : vector<1xf32>
    %reduce_sum3A_557 = vector.multi_reduction <add>, %reduce_sum3A_555, %reduce_sum3A_556 [1, 2] : vector<1x64x64xf32> to vector<1xf32>
    %reduce_sum3A_558 = vector.shape_cast %reduce_sum3A_557 : vector<1xf32> to vector<1x1x1xf32>
    %reduce_sum3A_559 = vector.extract %reduce_sum3A_558[0, 0, 0] : f32 from vector<1x1x1xf32>
    %add3A_560 = arith.addf %add3A_547, %reduce_sum3A_559 : f32
    %slice3A_561 = vector.extract_strided_slice %max3A_484 {offsets = [320, 0], sizes = [64, 64], strides = [1, 1]} : vector<512x64xf32> to vector<64x64xf32>
    %dot_general3A_562 = arith.constant dense<0.000000e+00> : vector<64x64xf32>
    %dot_general3A_563 = tpu.matmul %slice3A_551, %slice3A_561, %dot_general3A_562 {dimension_numbers = #tpu.dot_dimension_numbers<[0], [0], [1], [1], [0, 1, 1, 1], [], []>, transpose_lhs_hint = false} : vector<64x64xf32>, vector<64x64xf32>, vector<64x64xf32> -> vector<64x64xf32>
    %slice3A_564 = vector.extract_strided_slice %div3A_444 {offsets = [384, 0], sizes = [64, 64], strides = [1, 1]} : vector<512x64xf32> to vector<64x64xf32>
    %dot_general3A_565 = arith.constant dense<0.000000e+00> : vector<64x64xf32>
    %dot_general3A_566 = tpu.matmul %slice3A_564, %slice3A_564, %dot_general3A_565 {dimension_numbers = #tpu.dot_dimension_numbers<[0], [0], [1], [1], [0, 1, 1, 1], [], []>, transpose_lhs_hint = false} : vector<64x64xf32>, vector<64x64xf32>, vector<64x64xf32> -> vector<64x64xf32>
    %mul3A_567 = arith.mulf %dot_general3A_566, %dot_general3A_566 : vector<64x64xf32>
    %reduce_sum3A_568 = vector.shape_cast %mul3A_567 : vector<64x64xf32> to vector<1x64x64xf32>
    %reduce_sum3A_569 = arith.constant dense<0.000000e+00> : vector<1xf32>
    %reduce_sum3A_570 = vector.multi_reduction <add>, %reduce_sum3A_568, %reduce_sum3A_569 [1, 2] : vector<1x64x64xf32> to vector<1xf32>
    %reduce_sum3A_571 = vector.shape_cast %reduce_sum3A_570 : vector<1xf32> to vector<1x1x1xf32>
    %reduce_sum3A_572 = vector.extract %reduce_sum3A_571[0, 0, 0] : f32 from vector<1x1x1xf32>
    %add3A_573 = arith.addf %add3A_560, %reduce_sum3A_572 : f32
    %slice3A_574 = vector.extract_strided_slice %max3A_484 {offsets = [384, 0], sizes = [64, 64], strides = [1, 1]} : vector<512x64xf32> to vector<64x64xf32>
    %dot_general3A_575 = arith.constant dense<0.000000e+00> : vector<64x64xf32>
    %dot_general3A_576 = tpu.matmul %slice3A_564, %slice3A_574, %dot_general3A_575 {dimension_numbers = #tpu.dot_dimension_numbers<[0], [0], [1], [1], [0, 1, 1, 1], [], []>, transpose_lhs_hint = false} : vector<64x64xf32>, vector<64x64xf32>, vector<64x64xf32> -> vector<64x64xf32>
    %slice3A_577 = vector.extract_strided_slice %div3A_444 {offsets = [448, 0], sizes = [64, 64], strides = [1, 1]} : vector<512x64xf32> to vector<64x64xf32>
    %dot_general3A_578 = arith.constant dense<0.000000e+00> : vector<64x64xf32>
    %dot_general3A_579 = tpu.matmul %slice3A_577, %slice3A_577, %dot_general3A_578 {dimension_numbers = #tpu.dot_dimension_numbers<[0], [0], [1], [1], [0, 1, 1, 1], [], []>, transpose_lhs_hint = false} : vector<64x64xf32>, vector<64x64xf32>, vector<64x64xf32> -> vector<64x64xf32>
    %mul3A_580 = arith.mulf %dot_general3A_579, %dot_general3A_579 : vector<64x64xf32>
    %reduce_sum3A_581 = vector.shape_cast %mul3A_580 : vector<64x64xf32> to vector<1x64x64xf32>
    %reduce_sum3A_582 = arith.constant dense<0.000000e+00> : vector<1xf32>
    %reduce_sum3A_583 = vector.multi_reduction <add>, %reduce_sum3A_581, %reduce_sum3A_582 [1, 2] : vector<1x64x64xf32> to vector<1xf32>
    %reduce_sum3A_584 = vector.shape_cast %reduce_sum3A_583 : vector<1xf32> to vector<1x1x1xf32>
    %reduce_sum3A_585 = vector.extract %reduce_sum3A_584[0, 0, 0] : f32 from vector<1x1x1xf32>
    %add3A_586 = arith.addf %add3A_573, %reduce_sum3A_585 : f32
    %slice3A_587 = vector.extract_strided_slice %max3A_484 {offsets = [448, 0], sizes = [64, 64], strides = [1, 1]} : vector<512x64xf32> to vector<64x64xf32>
    %dot_general3A_588 = arith.constant dense<0.000000e+00> : vector<64x64xf32>
    %dot_general3A_589 = tpu.matmul %slice3A_577, %slice3A_587, %dot_general3A_588 {dimension_numbers = #tpu.dot_dimension_numbers<[0], [0], [1], [1], [0, 1, 1, 1], [], []>, transpose_lhs_hint = false} : vector<64x64xf32>, vector<64x64xf32>, vector<64x64xf32> -> vector<64x64xf32>
    %concatenate3A_590 = tpu.concatenate %dot_general3A_498, %dot_general3A_511, %dot_general3A_524, %dot_general3A_537, %dot_general3A_550, %dot_general3A_563, %dot_general3A_576, %dot_general3A_589 in 0 : vector<64x64xf32>, vector<64x64xf32>, vector<64x64xf32>, vector<64x64xf32>, vector<64x64xf32>, vector<64x64xf32>, vector<64x64xf32>, vector<64x64xf32> -> vector<512x64xf32>
    %get3A_591 = arith.constant 0 : index
    %get3A_592 = arith.constant 0 : index
    %get3A_593 = vector.load %arg19[%get3A_591, %get3A_592] : memref<64x64xf32, #tpu.memory_space<vmem>>, vector<64x64xf32>
    %get3A_594 = arith.constant 0 : index
    %get3A_595 = vector.load %arg20[%get3A_594] : memref<64xf32, #tpu.memory_space<vmem>>, vector<64xf32>
    %dot_general3A_596 = arith.constant dense<0.000000e+00> : vector<512x64xf32>
    %dot_general3A_597 = tpu.matmul %concatenate3A_590, %get3A_593, %dot_general3A_596 {dimension_numbers = #tpu.dot_dimension_numbers<[1], [0], [0], [1], [0, 0, 1, 1], [], []>, transpose_lhs_hint = false} : vector<512x64xf32>, vector<64x64xf32>, vector<512x64xf32> -> vector<512x64xf32>
    %dot_general3A_598 = arith.constant dense<0.000000e+00> : vector<512x64xf32>
    %dot_general3A_599 = tpu.matmul %select_n3A_229, %dot_general3A_597, %dot_general3A_598 {dimension_numbers = #tpu.dot_dimension_numbers<[1], [0], [0], [1], [0, 0, 1, 1], [], []>, transpose_lhs_hint = false} : vector<512x512xf32>, vector<512x64xf32>, vector<512x64xf32> -> vector<512x64xf32>
    %add3A_600 = arith.addf %dot_general3A_599, %dot_general3A_597 : vector<512x64xf32>
    %div3A_601 = arith.constant 6.500000e+01 : f32
    %div3A_602 = vector.broadcast %div3A_601 : f32 to vector<512x64xf32>
    %div3A_603 = arith.divf %add3A_600, %div3A_602 : vector<512x64xf32>
    %broadcast_in_dim3A_604 = vector.shape_cast %get3A_595 : vector<64xf32> to vector<1x64xf32>
    %add3A_605 = vector.broadcast %broadcast_in_dim3A_604 : vector<1x64xf32> to vector<512x64xf32>
    %add3A_606 = arith.addf %div3A_603, %add3A_605 : vector<512x64xf32>
    %max3A_607 = arith.constant 0.000000e+00 : f32
    %max3A_608 = vector.broadcast %max3A_607 : f32 to vector<512x64xf32>
    %max3A_609 = arith.maximumf %add3A_606, %max3A_608 : vector<512x64xf32>
    %dot_general3A_610 = arith.constant dense<0.000000e+00> : vector<8x64xf32>
    %dot_general3A_611 = tpu.matmul %select_n3A_268, %max3A_609, %dot_general3A_610 {dimension_numbers = #tpu.dot_dimension_numbers<[1], [0], [0], [1], [0, 0, 1, 1], [], []>, transpose_lhs_hint = false} : vector<8x512xf32>, vector<512x64xf32>, vector<8x64xf32> -> vector<8x64xf32>
    %div3A_612 = arith.constant 6.400000e+01 : f32
    %div3A_613 = vector.broadcast %div3A_612 : f32 to vector<8x64xf32>
    %div3A_614 = arith.divf %dot_general3A_611, %div3A_613 : vector<8x64xf32>
    %get3A_615 = arith.constant 0 : index
    %get3A_616 = arith.constant 0 : index
    %get3A_617 = vector.load %arg21[%get3A_615, %get3A_616] : memref<64x128xf32, #tpu.memory_space<vmem>>, vector<64x128xf32>
    %dot_general3A_618 = arith.constant dense<0.000000e+00> : vector<8x128xf32>
    %dot_general3A_619 = tpu.matmul %div3A_614, %get3A_617, %dot_general3A_618 {dimension_numbers = #tpu.dot_dimension_numbers<[1], [0], [0], [1], [0, 0, 1, 1], [], []>, transpose_lhs_hint = false} : vector<8x64xf32>, vector<64x128xf32>, vector<8x128xf32> -> vector<8x128xf32>
    %get3A_620 = arith.constant 0 : index
    %get3A_621 = vector.load %arg22[%get3A_620] : memref<128xf32, #tpu.memory_space<vmem>>, vector<128xf32>
    %broadcast_in_dim3A_622 = vector.shape_cast %get3A_621 : vector<128xf32> to vector<1x128xf32>
    %add3A_623 = vector.broadcast %broadcast_in_dim3A_622 : vector<1x128xf32> to vector<8x128xf32>
    %add3A_624 = arith.addf %dot_general3A_619, %add3A_623 : vector<8x128xf32>
    %max3A_625 = arith.constant 0.000000e+00 : f32
    %max3A_626 = vector.broadcast %max3A_625 : f32 to vector<8x128xf32>
    %max3A_627 = arith.maximumf %add3A_624, %max3A_626 : vector<8x128xf32>
    %get3A_628 = arith.constant 0 : index
    %get3A_629 = arith.constant 0 : index
    %get3A_630 = vector.load %arg23[%get3A_628, %get3A_629] : memref<128x10xf32, #tpu.memory_space<vmem>>, vector<128x10xf32>
    %dot_general3A_631 = arith.constant dense<0.000000e+00> : vector<8x10xf32>
    %dot_general3A_632 = tpu.matmul %max3A_627, %get3A_630, %dot_general3A_631 {dimension_numbers = #tpu.dot_dimension_numbers<[1], [0], [0], [1], [0, 0, 1, 1], [], []>, transpose_lhs_hint = false} : vector<8x128xf32>, vector<128x10xf32>, vector<8x10xf32> -> vector<8x10xf32>
    %get3A_633 = arith.constant 0 : index
    %get3A_634 = vector.load %arg24[%get3A_633] : memref<10xf32, #tpu.memory_space<vmem>>, vector<10xf32>
    %broadcast_in_dim3A_635 = vector.shape_cast %get3A_634 : vector<10xf32> to vector<1x10xf32>
    %add3A_636 = vector.broadcast %broadcast_in_dim3A_635 : vector<1x10xf32> to vector<8x10xf32>
    %add3A_637 = arith.addf %dot_general3A_632, %add3A_636 : vector<8x10xf32>
    %reduce_max3A_638 = arith.constant dense<0xFF800000> : vector<8xf32>
    %reduce_max3A_639 = vector.multi_reduction <maximumf>, %add3A_637, %reduce_max3A_638 [1] : vector<8x10xf32> to vector<8xf32>
    %broadcast_in_dim3A_640 = vector.shape_cast %reduce_max3A_639 : vector<8xf32> to vector<8x1xf32>
    %sub3A_641 = vector.broadcast %broadcast_in_dim3A_640 : vector<8x1xf32> to vector<8x10xf32>
    %sub3A_642 = arith.subf %add3A_637, %sub3A_641 : vector<8x10xf32>
    %exp3A_643 = math.exp %sub3A_642 : vector<8x10xf32>
    %reduce_sum3A_644 = arith.constant dense<0.000000e+00> : vector<8xf32>
    %reduce_sum3A_645 = vector.multi_reduction <add>, %exp3A_643, %reduce_sum3A_644 [1] : vector<8x10xf32> to vector<8xf32>
    %broadcast_in_dim3A_646 = vector.shape_cast %reduce_sum3A_645 : vector<8xf32> to vector<8x1xf32>
    %log3A_647 = math.log %broadcast_in_dim3A_646 : vector<8x1xf32>
    %add3A_648 = arith.addf %broadcast_in_dim3A_640, %log3A_647 : vector<8x1xf32>
    %sub3A_649 = vector.broadcast %add3A_648 : vector<8x1xf32> to vector<8x10xf32>
    %sub3A_650 = arith.subf %add3A_637, %sub3A_649 : vector<8x10xf32>
    %swap3A = arith.constant 0 : index
    %swap3A_651 = arith.constant 0 : index
    %swap3A_652 = vector.load %arg25[%swap3A, %swap3A_651] : memref<8x10xf32, #tpu.memory_space<vmem>>, vector<8x10xf32>
    tpu.vector_store %arg25[%swap3A, %swap3A_651], %sub3A_650 {strides = array<i32>} : memref<8x10xf32, #tpu.memory_space<vmem>>, vector<8x10xf32>,
    %get3A_653 = arith.constant 0 : index
    %get3A_654 = arith.constant 0 : index
    %get3A_655 = vector.load %arg2[%get3A_653, %get3A_654] : memref<1x3xf32, #tpu.memory_space<vmem>>, vector<1x3xf32>
    %slice3A_656 = vector.extract_strided_slice %get3A_655 {offsets = [0, 0], sizes = [1, 1], strides = [1, 1]} : vector<1x3xf32> to vector<1x1xf32>
    %squeeze3A = vector.extract %slice3A_656[0, 0] : f32 from vector<1x1xf32>
    %slice3A_657 = vector.extract_strided_slice %get3A_655 {offsets = [0, 1], sizes = [1, 1], strides = [1, 1]} : vector<1x3xf32> to vector<1x1xf32>
    %squeeze3A_658 = vector.extract %slice3A_657[0, 0] : f32 from vector<1x1xf32>
    %slice3A_659 = vector.extract_strided_slice %get3A_655 {offsets = [0, 2], sizes = [1, 1], strides = [1, 1]} : vector<1x3xf32> to vector<1x1xf32>
    %squeeze3A_660 = vector.extract %slice3A_659[0, 0] : f32 from vector<1x1xf32>
    %div3A_661 = arith.constant 1.000000e+04 : f32
    %div3A_662 = arith.divf %squeeze3A_660, %div3A_661 : f32
    %mul3A_663 = arith.constant 2.000000e+00 : f32
    %mul3A_664 = arith.mulf %mul3A_663, %squeeze3A_658 : f32
    %sub3A_665 = arith.subf %squeeze3A, %mul3A_664 : f32
    %add3A_666 = arith.addf %sub3A_665, %add3A_170 : f32
    %max3A_667 = arith.constant 0.000000e+00 : f32
    %max3A_668 = arith.maximumf %add3A_666, %max3A_667 : f32
    %sqrt3A_669 = math.sqrt %max3A_668 : f32
    %div3A_670 = arith.constant 1.250000e+07 : f32
    %div3A_671 = arith.divf %sqrt3A_669, %div3A_670 : f32
    %mul3A_672 = arith.constant 2.000000e+00 : f32
    %mul3A_673 = arith.mulf %mul3A_672, %reduce_sum3A_465 : f32
    %sub3A_674 = arith.constant 3.276800e+04 : f32
    %sub3A_675 = arith.subf %sub3A_674, %mul3A_673 : f32
    %add3A_676 = arith.addf %sub3A_675, %add3A_586 : f32
    %max3A_677 = arith.constant 0.000000e+00 : f32
    %max3A_678 = arith.maximumf %add3A_676, %max3A_677 : f32
    %sqrt3A_679 = math.sqrt %max3A_678 : f32
    %div3A_680 = arith.constant 3.276800e+04 : f32
    %div3A_681 = arith.divf %sqrt3A_679, %div3A_680 : f32
    %add3A_682 = arith.addf %div3A_671, %div3A_681 : f32
    %add3A_683 = arith.addf %add3A_682, %div3A_662 : f32
    %add3A_684 = arith.addf %add3A_683, %div3A_457 : f32
    %reshape3A = vector.broadcast %add3A_684 : f32 to vector<1x1xf32>
    %swap3A_685 = arith.constant 0 : index
    %swap3A_686 = arith.constant 0 : index
    %swap3A_687 = vector.load %arg26[%swap3A_685, %swap3A_686] : memref<1x1xf32, #tpu.memory_space<vmem>>, vector<1x1xf32>
    tpu.vector_store %arg26[%swap3A_685, %swap3A_686], %reshape3A {strides = array<i32>} : memref<1x1xf32, #tpu.memory_space<vmem>>, vector<1x1xf32>,
    return
  }
}

</mosaic_0001>

<sc_bundles>
// kernel: kernel.13.cloned.1.call-start
scs
__scs_entry_jumppad:
0x0: {  	(pc) =	sbr.rel $0x88, $3  }
0x1: {  	(tag) =	ssettag $0x0;
	lr =	simm.s32 $0x1  }
0x2: {  	[smem:$0x3F79] =	sst lr;
	_ =	strace $0xD0000000  }
0x3: {  	_ = 	snop  }
0x4: {  	_ = 	snop  }
0x5: {  	_ = 	snop  }
0x6: {  	_ = 	snop  }
0x7: {  	_ = 	snop  }
__scs_overlays_trampoline_lowered:
0x8: {  	[smem:$0x3F88] =	sst s0  }
0x9: {  	[smem:$0x3F89] =	sst s1  }
0xa: {  	[smem:$0x3F8A] =	sst s2  }
0xb: {  	[smem:$0x3F8B] =	sst s3  }
0xc: {  	[smem:$0x3F8C] =	sst s4  }
0xd: {  	[smem:$0x3F8D] =	sst s5  }
0xe: {  	[smem:$0x3F8E] =	sst s6  }
0xf: {  	[smem:$0x3F8F] =	sst s7  }
0x10: {  	[smem:$0x3F90] =	sst s8  }
0x11: {  	[smem:$0x3F91] =	sst s9;
	s0 =	simm.s32 @!p0 $0x0  }
0x12: {  	s1 =	sld [smem:$0x3F77];
	s0 =	simm.s32 @p0 $0x1  }
0x13: {  	[smem:$0x3F92] =	sst s0;
	s0 =	simm.s32 @!p1 $0x0  }
0x14: {  	s2 =	sld [smem:$0x3F76];
	s0 =	simm.s32 @p1 $0x1  }
0x15: {  	[smem:$0x3F93] =	sst s0;
	s0 =	simm.s32 @!p2 $0x0  }
0x16: {  	s3 =	sld [smem:$0x3FDB];
	s0 =	simm.s32 @p2 $0x1  }
0x17: {  	s4 =	simm.s32 $0x1BF5;
	[smem:$0x3F95] =	sst s0  }
0x18: {  	s0 =	sld [smem:$0x3F78];
	_ =	swait.ge [sflag:s4], $0x0  }
0x19: {  	s7 =	sld [smem:$0x3F79]  }
0x1a: {  	s8 =	sadd.s32 $0xFFFFE003, lr  }
0x1b: {  	s9 =	sadd.s32 $0xFFFFFEF7, lr;
	s5 =	simm.s32 $0xFFFFFFFF;
	p2 =	slt.u32 s8, $0xFFFFF086  }
0x1c: {  	p1 =	slt.u32 s9, $0xF7A;
	s5 =	simm.s32 @!p2 $0x0  }
0x1d: {  	s5 =	simm.s32 @p1 $0x1;
	p0 =	seq.s32 s7, s2  }
0x1e: {  	s7 =	smul.u32 @!p0 $0xF7A, s2;
	p2 =	seq.s32 @!p0 s5, $0x0  }
0x1f: {  	s9 =	smul.u32 $0xF7A, s1;
	s8 =	simm.s32 @!p0 $0x1BF5;
	p2 =	por !p2, p0  }
0x20: {  	[sflag:s8] =	ssyncset.s32 @!p0 $0xFFFFF086;
	s6 =	sadd.s32 @!p0 s3, s7;
	s7 =	simm.s32 @!p0 $0x108  }
0x21: {  	s3 =	sadd.s32 s3, s9;
	s6 =	sadd.s32 @!p0 $0x88, s6;
	s7 =	simm.s32 @p2 $0x1082  }
0x22: {  	[simem:s7], [sflag:s8] =	dma.local @!p0 [hbm:s6], $0xF7A  }
0x23: {  	s9 =	sor.u32 $0xD0000000, s2;
	s6 =	simm.s32 $0x108;
	_ =	swait.ge @!p0 [sflag:s8], $0x0  }
0x24: {  	s3 =	sadd.s32 $0x88, s3;
	s6 =	simm.s32 @!p1 $0x1082;
	[sflag:s4] =	ssyncset.s32 $0xFFFFF086  }
0x25: {  	[simem:s6], [sflag:s4] =	dma.local [hbm:s3], $0xF7A  }
0x26: {  	[smem:$0x3F79] =	sst s1;
	(tag) =	ssettag s2;
	_ =	strace s9  }
0x27: {  	s1 =	sld [smem:$0x3F89]  }
0x28: {  	s2 =	sld [smem:$0x3F8A]  }
0x29: {  	s4 =	sld [smem:$0x3F8C]  }
0x2a: {  	p0 =	seq.s32 s5, $0x0;
	s5 =	sld [smem:$0x3F8D]  }
0x2b: {  	s6 =	sld [smem:$0x3F8E]  }
0x2c: {  	s7 =	sld [smem:$0x3F8F]  }
0x2d: {  	s3 =	simm.s32 $0x108;
	s8 =	sld [smem:$0x3F90]  }
0x2e: {  	s3 =	simm.s32 @!p0 $0x1082;
	s9 =	sld [smem:$0x3F91]  }
0x2f: {  	lr =	sadd.s32 s0, s3;
	s0 =	sld [smem:$0x3F88]  }
0x30: {  	s3 =	sld [smem:$0x3F8B]  }
0x31: {  	[smem:$0x3F94] =	sst s10  }
0x32: {  	s10 =	sld [smem:$0x3F92];
	_ =	sdelay $0x3  }
0x33: {  	p0 =	seq.s32 s10, $0x1;
	s10 =	sld [smem:$0x3F94];
	_ =	sdelay $0x3  }
0x34: {  	[smem:$0x3F94] =	sst s10  }
0x35: {  	s10 =	sld [smem:$0x3F93];
	_ =	sdelay $0x3  }
0x36: {  	p1 =	seq.s32 s10, $0x1;
	s10 =	sld [smem:$0x3F94];
	_ =	sdelay $0x3  }
0x37: {  	[smem:$0x3F94] =	sst s10  }
0x38: {  	s10 =	sld [smem:$0x3F95]  }
0x39: {  	_ = 	snop;
	(pc) =	sbr.ind lr, $3  }
0x3a: {  	_ = 	snop  }
0x3b: {  	_ = 	snop  }
0x3c: {  	p2 =	seq.s32 s10, $0x1;
	s10 =	sld [smem:$0x3F94]  }
0x3d: {  	_ =	shalt  }
0x3e: {  	_ =	shalt  }
0x3f: {  	_ =	shalt  }
0x40: {  	_ =	shalt  }
0x41: {  	_ =	shalt  }
0x42: {  	_ =	shalt  }
0x43: {  	_ =	shalt  }
0x44: {  	_ =	shalt  }
0x45: {  	_ =	shalt  }
0x46: {  	_ =	shalt  }
0x47: {  	_ =	shalt  }
0x48: {  	_ =	shalt  }
0x49: {  	_ =	shalt  }
0x4a: {  	_ =	shalt  }
0x4b: {  	_ =	shalt  }
0x4c: {  	_ =	shalt  }
0x4d: {  	_ =	shalt  }
0x4e: {  	_ =	shalt  }
0x4f: {  	_ =	shalt  }
0x50: {  	_ =	shalt  }
0x51: {  	_ =	shalt  }
0x52: {  	_ =	shalt  }
0x53: {  	_ =	shalt  }
0x54: {  	_ =	shalt  }
0x55: {  	_ =	shalt  }
0x56: {  	_ =	shalt  }
0x57: {  	_ =	shalt  }
0x58: {  	_ =	shalt  }
0x59: {  	_ =	shalt  }
0x5a: {  	_ =	shalt  }
0x5b: {  	_ =	shalt  }
0x5c: {  	_ =	shalt  }
0x5d: {  	_ =	shalt  }
0x5e: {  	_ =	shalt  }
0x5f: {  	_ =	shalt  }
0x60: {  	_ =	shalt  }
0x61: {  	_ =	shalt  }
0x62: {  	_ =	shalt  }
0x63: {  	_ =	shalt  }
0x64: {  	_ =	shalt  }
0x65: {  	_ =	shalt  }
0x66: {  	_ =	shalt  }
0x67: {  	_ =	shalt  }
0x68: {  	_ =	shalt  }
0x69: {  	_ =	shalt  }
0x6a: {  	_ =	shalt  }
0x6b: {  	_ =	shalt  }
0x6c: {  	_ =	shalt  }
0x6d: {  	_ =	shalt  }
0x6e: {  	_ =	shalt  }
0x6f: {  	_ =	shalt  }
0x70: {  	_ =	shalt  }
0x71: {  	_ =	shalt  }
0x72: {  	_ =	shalt  }
0x73: {  	_ =	shalt  }
0x74: {  	_ =	shalt  }
0x75: {  	_ =	shalt  }
0x76: {  	_ =	shalt  }
0x77: {  	_ =	shalt  }
0x78: {  	_ =	shalt  }
0x79: {  	_ =	shalt  }
0x7a: {  	_ =	shalt  }
0x7b: {  	_ =	shalt  }
0x7c: {  	_ =	shalt  }
0x7d: {  	_ =	shalt  }
0x7e: {  	_ =	shalt  }
0x7f: {  	_ =	shalt  }
0x80: {  	_ =	shalt  }
0x81: {  	_ =	shalt  }
0x82: {  	_ =	shalt  }
0x83: {  	_ =	shalt  }
0x84: {  	_ =	shalt  }
0x85: {  	_ =	shalt  }
0x86: {  	_ =	shalt  }
0x87: {  	_ =	shalt  }
.Lfunc_end0:
.L_simem_size_0:
called_computation_lowered:
.L_overlay_start_0:
0x88: {  	s2 =	sld [smem:$0x3FD9]  }
0x89: {  	s3 =	sld [smem:$0x3FFE];
	_ =	sdelay $0x1  }
0x8a: {  	s1 =	srdreg.scid  }
0x8b: {  	s0 =	sand.u32 $0x1, s1  }
0x8c: {  	s16 =	sshll.u32 s0, $0xA;
	s2 =	sadd.s32 s3, s2  }
0x8d: {  	s2 =	sadd.s32 s2, s16  }
0x8e: {  	[smem:$0x3FA0] =	sst s2  }
0x8f: {  	_ = 	snop  }
0x90: {  	(tm) =	ssettm $0x1  }
0x91: {  	s17 =	sld [smem:$0x3FFB];
	_ =	sdelay $0x3  }
0x92: {  	_ =	strace s17  }
0x93: {  	s2 =	sld [smem:$0x3FFC];
	_ =	sdelay $0x3  }
0x94: {  	_ =	strace s2  }
0x95: {  	s2 =	sld [smem:$0x3FFD];
	_ =	sdelay $0x3  }
0x96: {  	_ =	strace s2  }
0x97: {  	_ =	strace $0x8FFFFFFF  }
0x98: {  	s18 =	sld [smem:$0x3FDB];
	_ =	sdelay $0x1  }
0x99: {  	s19 =	simm.s32 $_scs_section_size  }
0x9a: {  	s4 =	simm.s32 $_size__tile_overlayer_lowered;
	s5 =	simm.s32 $_tile_overlayer_lowered  }
0x9b: {  	s22 =	simm.s32 $0x1BFF;
	s21 =	sshll.u32 s5, $0x1;
	s2 =	sadd.s32 s19, s18  }
0x9c: {  	s6 =	simm.s32 $0x0;
	s20 =	sshll.u32 s4, $0x1;
	s4 =	sadd.s32 s21, s2  }
0x9d: {  	[timem:s6], [sflag:s22] =	dma.local [hbm:s4], s20  }
0x9e: {  	_ =	swait.ge [sflag:s22], s20  }
0x9f: {  	s3 =	ssub.s32 $0x0, s20;
	[sflag:s22] =	ssyncset.done $0x0  }
0xa0: {  	[sflag:s22] =	ssyncadd.s32 s3;
	_ =	sdelay $0x1  }
0xa1: {  	s23 =	simm.s32 $0x1B8B  }
0xa2: {  	_ =	swait.ge [sflag:s23], $0x1  }
0xa3: {  	[sflag:s23] =	ssyncset.done $0x0  }
0xa4: {  	s25 =	simm.s32 $0x1B8E;
	s24 =	sld [smem:$0x3FFE];
	[sflag:s23] =	ssyncadd.s32 $0xFFFFFFFF  }
0xa5: {  	s26 =	simm.s32 $execute0_lowered;
	[smem:$0x3FD2] =	sst s25  }
0xa6: {  	s4 =	sshll.u32 s26, $0x1;
	_ =	strace $0x80000046;
	[dreg:$0x1] =	wrdreg $0xFFFFFFFF  }
0xa7: {  	s28 =	simm.s32 $_size_execute0_lowered;
	s2 =	sadd.s32 s2, s4;
	[dreg:$0x0] =	wrdreg $0x0  }
0xa8: {  	s4 =	sshll.u32 s28, $0x1;
	[dreg:$0x2] =	wrdreg s2  }
0xa9: {  	[dreg:$0x3] =	wrdreg s4  }
0xaa: {  	[dreg:$0x4] =	wrdreg $0xC0  }
0xab: {  	_ =	task [dreg:s6], $0x5FFFF  }
0xac: {  	[dreg:$0x1] =	wrdreg $0xFFFFFFFF  }
0xad: {  	[dreg:$0x0] =	wrdreg $0x60  }
0xae: {  	[dreg:$0x2] =	wrdreg s24  }
0xaf: {  	[dreg:$0x3] =	wrdreg $0x0  }
0xb0: {  	[dreg:$0x4] =	wrdreg $0x9  }
0xb1: {  	_ =	task.clear_ibuf [dreg:s6], $0x5FFFF;
	_ =	strace $0x90000046  }
0xb2: {  	s29 =	simm.s32 $0x9;
	_ =	strace $0x80000048  }
0xb3: {  	_ =	swait.ge [sflag:s29], $0x1  }
0xb4: {  	[sflag:s29] =	ssyncadd.s32 $0xFFFFFFFF  }
0xb5: {  	_ =	strace $0x90000048  }
0xb6: {  	_ =	sfence  }
0xb7: {  	s30 =	sld [smem:$0x0];
	_ =	sdelay $0x2  }
0xb8: {  	s31 =	sshll.u32 s1, $0xD;
	s1 =	sshrl.u32 s1, $0x2  }
0xb9: {  	s3 =	sand.u32 $0x4000, s31;
	s1 =	sadd.s32 s1, s30  }
0xba: {  	s0 =	sor.u32 s3, s0;
	s1 =	sshll.u32 s1, $0x11  }
0xbb: {  	s0 =	sor.u32 s1, s0  }
0xbc: {  	s0 =	sadd.s32 $0x8F2B, s0  }
0xbd: {  	[sflag:s0] =	ssyncadd.remote.s32 $0x1  }
0xbe: {  	_ =	sfence.sel $0xFFFF  }
0xbf: {  	[dreg:$0x0] =	wrdreg $0xFFFFFFFF;
	(pc) =	sbr.abs _section_cstart, $3  }
0xc0: {  	[dreg:$0x1] =	wrdreg $0xFFFFFFFF  }
0xc1: {  	_ =	task.clear_ibuf [dreg:s6], $0x2FFFF;
	_ =	strace $0x9FFFFFFF  }
0xc2: {  	(tm) =	ssettm $0x7FFFFFFF  }
0xc3: {  	_ =	shalt  }
tec
execute0_lowered:
.L_overlay_start_1:
0x0: {  	(tag) =	ssettag $0x1  }
0x1: {  	s0 =	rddreg [dreg:$0x0]  }
0x2: {  	s1 =	rddreg [dreg:$0x1];
	s8 =	simm.s32 $0x0;
	s2 =	srdreg.scid  }
0x3: {  	s9 =	stileid.u32;
	[smem:$0x7FF] =	sst s8;
	s2 =	sand.u32 $0x1, s2  }
0x4: {  	s4 =	sadd.s32 $0xFC00, s0;
	s5 =	sadd.s32 $0x5E00, s0;
	s7 =	smul.u32 $0x64000, s9  }
0x5: {  	s0 =	sadd.s32 $0x19A00, s0;
	s18 =	smul.u32 $0x9C0, s9;
	_ =	strace $0x80000047  }
0x6: {  	s3 =	ssub.s32 $0x2, s2;
	[dreg:$0x4] =	wrdreg s0;
	s2 =	sshll.u32 s2, $0x2  }
0x7: {  	s15 =	sshll.u32 s9, $0x4;
	s16 =	smul.u32 $0x19000, s9;
	[dreg:$0x5] =	wrdreg s2  }
0x8: {  	s6 =	sshrl.u32 s3, $0x1;
	s17 =	sshrl.u32 s7, $0x2;
	[dreg:$0x7] =	wrdreg s18  }
0x9: {  	s2 =	sor.u32 $0x9C00, s15;
	[dreg:$0x6] =	wrdreg s16;
	s14 =	ssub.s32 s3, s6  }
0xa: {  	[dreg:$0x8] =	wrdreg s2;
	s3 =	sadd.s32 s17, s1;
	s0 =	smax.u32 s14, $0x1  }
0xb: {  	s20 =	sadd.s32 $0x1900, s3;
	[dreg:$0x9] =	wrdreg s0  }
0xc: {  	s30 =	simm.s32 $0x19000;
	s21 =	sadd.s32 $0x3200, s3;
	[dreg:$0xa] =	wrdreg s20  }
0xd: {  	s31 =	simm.s32 $0x1;
	s22 =	sadd.s32 $0x4B00, s3;
	[dreg:$0xb] =	wrdreg s21  }
0xe: {  	s12 =	simm.s32 $0x280;
	s23 =	sadd.s32 $0x6400, s3;
	[dreg:$0xc] =	wrdreg s22  }
0xf: {  	p0 =	sgt.u32 s9, $0x3;
	s24 =	sadd.s32 $0x7D00, s3;
	[dreg:$0xd] =	wrdreg s23  }
0x10: {  	s19 =	sadd.s32 s16, s1;
	s25 =	sadd.s32 $0x9600, s3;
	[dreg:$0xe] =	wrdreg s24  }
0x11: {  	s2 =	simm.s32 $0x1E4A0;
	s26 =	sadd.s32 $0xAF00, s3;
	[dreg:$0xf] =	wrdreg s25  }
0x12: {  	s28 =	sadd.s32 $0x15E00, s3;
	s29 =	sadd.s32 $0x17700, s3;
	[dreg:$0x10] =	wrdreg s26  }
0x13: {  	s20 =	sadd.s32 $0xC800, s3;
	s21 =	sadd.s32 $0xE100, s3;
	s22 =	sadd.s32 $0xFA00, s3  }
0x14: {  	v0 =	vimm.f32 $0.0e+00;
	v2 =	vlaneseq.u32;
	s23 =	sadd.s32 $0x11300, s3;
	s24 =	sadd.s32 $0x12C00, s3;
	s25 =	sshrl.u32 s19, $0x3  }
0x15: {  	v1 =	vimm.s32 $0x0;
	v3 =	vimm.f32 $1.000000000e+00;
	v2 =	vmul.u32 $0x10, v2;
	s26 =	sadd.s32 $0x14500, s3;
	s19 =	smov.u32 s3;
	s0 =	simm.s32 $0x1A900  }
.LBB2_1:
0x16: {  	s3 =	simm.s32 $0x0  }
.LBB2_2:
0x17: {  	p1 =	sne.s32 s3, $0x63C0  }
.Ltmp0:
0x18: {  	_ = 	snop;
	(pc) =	sbr.rel @p1 .LBB2_2-.Ltmp0, $3  }
0x19: {  	_ =	sdelay $0x1  }
0x1a: {  	s6 =	sshra.s32 s3, $0x2  }
0x1b: {  	s3 =	sadd.s32 $0x40, s3;
	[tilespmem:s6+$0x19000] =	vst v0  }
0x1c: {  	[dreg:$0x3] =	wrdreg s8;
	s3 =	simm.s32 $0x40;
	s6 =	simm.s32 $0x0  }
.LBB2_4:
0x1d: {  	p1 =	sne.s32 s3, $0x9FC0;
	[tilespmem:s6+$0x1A900] =	vst v0;
	s6 =	smov.u32 s3;
	s3 =	sadd.s32 $0x40, s3  }
.Ltmp1:
0x1e: {  	(pc) =	sbr.rel @p1 .LBB2_4-.Ltmp1, $2  }
0x1f: {  	_ =	sdelay $0x2  }
0x20: {  	s6 =	sshra.s32 s6, $0x2  }
0x21: {  	[tilespmem:s6+$0x1A900] =	vst v0  }
0x22: {  	[tilespmem:$0x1E4A0] =	vst v1  }
0x23: {  	[tilespmem:$0x1E4B0] =	vst v1  }
0x24: {  	[tilespmem:$0x1E4C0] =	vst v1  }
0x25: {  	[tilespmem:$0x1E4D0] =	vst v1  }
0x26: {  	[tilespmem:$0x1E4E0] =	vst v1  }
0x27: {  	[tilespmem:$0x1E4F0] =	vst v1  }
0x28: {  	[tilespmem:$0x1E500] =	vst v1  }
0x29: {  	[tilespmem:$0x1E510] =	vst v1  }
0x2a: {  	[tilespmem:$0x1E520] =	vst v1  }
0x2b: {  	[tilespmem:$0x1E530] =	vst v1  }
0x2c: {  	[tilespmem:$0x1E540] =	vst v1  }
0x2d: {  	[tilespmem:$0x1E550] =	vst v1  }
0x2e: {  	[tilespmem:$0x1E560] =	vst v1  }
0x2f: {  	[tilespmem:$0x1E570] =	vst v1  }
0x30: {  	[tilespmem:$0x1E580] =	vst v1  }
0x31: {  	[tilespmem:$0x1E590] =	vst v1  }
0x32: {  	[tilespmem:$0x1E5A0] =	vst v1  }
0x33: {  	[tilespmem:$0x1E5B0] =	vst v1  }
0x34: {  	[tilespmem:$0x1E5C0] =	vst v1  }
0x35: {  	[tilespmem:$0x1E5D0] =	vst v1  }
0x36: {  	[tilespmem:$0x1E5E0] =	vst v1  }
0x37: {  	[tilespmem:$0x1E5F0] =	vst v1  }
0x38: {  	[tilespmem:$0x1E600] =	vst v1  }
0x39: {  	[tilespmem:$0x1E610] =	vst v1  }
0x3a: {  	[tilespmem:$0x1E620] =	vst v1  }
0x3b: {  	[tilespmem:$0x1E630] =	vst v1  }
0x3c: {  	[tilespmem:$0x1E640] =	vst v1  }
0x3d: {  	[tilespmem:$0x1E650] =	vst v1  }
0x3e: {  	[tilespmem:$0x1E660] =	vst v1  }
0x3f: {  	[tilespmem:$0x1E670] =	vst v1  }
0x40: {  	[tilespmem:$0x1E680] =	vst v1  }
0x41: {  	[tilespmem:$0x1E690] =	vst v1  }
0x42: {  	[tilespmem:$0x1E6A0] =	vst v1  }
0x43: {  	[tilespmem:$0x1E6B0] =	vst v1  }
0x44: {  	[tilespmem:$0x1E6C0] =	vst v1  }
0x45: {  	[tilespmem:$0x1E6D0] =	vst v1  }
0x46: {  	[tilespmem:$0x1E6E0] =	vst v1  }
0x47: {  	[tilespmem:$0x1E6F0] =	vst v1  }
0x48: {  	[tilespmem:$0x1E700] =	vst v1  }
0x49: {  	s3 =	simm.s32 $0x0;
	s6 =	simm.s32 $0x0;
	[tilespmem:$0x1E710] =	vst v1  }
.LBB2_6:
0x4a: {  	[spmem:s19] =	stream.linear.scatter [tilespmem:s30], [sflag:$0x1], $0x1900, $0x38;
	[tilespmem:$0x1E730] =	vst v63  }
0x4b: {  	_ =	swait.ge [sflag:s31], $0x1900  }
0x4c: {  	[sflag:s31] =	ssyncset.done $0x0  }
0x4d: {  	s7 =	rddreg [dreg:$0xa];
	[sflag:s31] =	ssyncadd.s32 $0xFFFFE700  }
0x4e: {  	[spmem:s7] =	stream.linear.scatter [tilespmem:s30], [sflag:$0x1], $0x1900, $0x38;
	[tilespmem:$0x1E730] =	vst v63  }
0x4f: {  	_ =	swait.ge [sflag:s31], $0x1900  }
0x50: {  	[sflag:s31] =	ssyncset.done $0x0  }
0x51: {  	s9 =	rddreg [dreg:$0xb];
	[sflag:s31] =	ssyncadd.s32 $0xFFFFE700  }
0x52: {  	[spmem:s9] =	stream.linear.scatter [tilespmem:s30], [sflag:$0x1], $0x1900, $0x38;
	[tilespmem:$0x1E730] =	vst v63  }
0x53: {  	_ =	swait.ge [sflag:s31], $0x1900  }
0x54: {  	[sflag:s31] =	ssyncset.done $0x0  }
0x55: {  	s10 =	rddreg [dreg:$0xc];
	[sflag:s31] =	ssyncadd.s32 $0xFFFFE700  }
0x56: {  	[spmem:s10] =	stream.linear.scatter [tilespmem:s30], [sflag:$0x1], $0x1900, $0x38;
	[tilespmem:$0x1E730] =	vst v63  }
0x57: {  	_ =	swait.ge [sflag:s31], $0x1900  }
0x58: {  	[sflag:s31] =	ssyncset.done $0x0  }
0x59: {  	s11 =	rddreg [dreg:$0xd];
	[sflag:s31] =	ssyncadd.s32 $0xFFFFE700  }
0x5a: {  	[spmem:s11] =	stream.linear.scatter [tilespmem:s30], [sflag:$0x1], $0x1900, $0x38;
	[tilespmem:$0x1E730] =	vst v63  }
0x5b: {  	_ =	swait.ge [sflag:s31], $0x1900  }
0x5c: {  	[sflag:s31] =	ssyncset.done $0x0  }
0x5d: {  	s13 =	rddreg [dreg:$0xe];
	[sflag:s31] =	ssyncadd.s32 $0xFFFFE700  }
0x5e: {  	[spmem:s13] =	stream.linear.scatter [tilespmem:s30], [sflag:$0x1], $0x1900, $0x38;
	[tilespmem:$0x1E730] =	vst v63  }
0x5f: {  	_ =	swait.ge [sflag:s31], $0x1900  }
0x60: {  	[sflag:s31] =	ssyncset.done $0x0  }
0x61: {  	s14 =	rddreg [dreg:$0xf];
	[sflag:s31] =	ssyncadd.s32 $0xFFFFE700  }
0x62: {  	[spmem:s14] =	stream.linear.scatter [tilespmem:s30], [sflag:$0x1], $0x1900, $0x38;
	[tilespmem:$0x1E730] =	vst v63  }
0x63: {  	_ =	swait.ge [sflag:s31], $0x1900  }
0x64: {  	[sflag:s31] =	ssyncset.done $0x0  }
0x65: {  	s15 =	rddreg [dreg:$0x10];
	[sflag:s31] =	ssyncadd.s32 $0xFFFFE700  }
0x66: {  	[spmem:s15] =	stream.linear.scatter [tilespmem:s30], [sflag:$0x1], $0x1900, $0x38;
	[tilespmem:$0x1E730] =	vst v63  }
0x67: {  	_ =	swait.ge [sflag:s31], $0x1900  }
0x68: {  	[sflag:s31] =	ssyncset.done $0x0  }
0x69: {  	[sflag:s31] =	ssyncadd.s32 $0xFFFFE700  }
0x6a: {  	[spmem:s20] =	stream.linear.scatter [tilespmem:s30], [sflag:$0x1], $0x1900, $0x38;
	[tilespmem:$0x1E730] =	vst v63  }
0x6b: {  	_ =	swait.ge [sflag:s31], $0x1900  }
0x6c: {  	[sflag:s31] =	ssyncset.done $0x0  }
0x6d: {  	[sflag:s31] =	ssyncadd.s32 $0xFFFFE700  }
0x6e: {  	[spmem:s21] =	stream.linear.scatter [tilespmem:s30], [sflag:$0x1], $0x1900, $0x38;
	[tilespmem:$0x1E730] =	vst v63  }
0x6f: {  	_ =	swait.ge [sflag:s31], $0x1900  }
0x70: {  	[sflag:s31] =	ssyncset.done $0x0  }
0x71: {  	[sflag:s31] =	ssyncadd.s32 $0xFFFFE700  }
0x72: {  	[spmem:s22] =	stream.linear.scatter [tilespmem:s30], [sflag:$0x1], $0x1900, $0x38;
	[tilespmem:$0x1E730] =	vst v63  }
0x73: {  	_ =	swait.ge [sflag:s31], $0x1900  }
0x74: {  	[sflag:s31] =	ssyncset.done $0x0  }
0x75: {  	[sflag:s31] =	ssyncadd.s32 $0xFFFFE700  }
0x76: {  	[spmem:s23] =	stream.linear.scatter [tilespmem:s30], [sflag:$0x1], $0x1900, $0x38;
	[tilespmem:$0x1E730] =	vst v63  }
0x77: {  	_ =	swait.ge [sflag:s31], $0x1900  }
0x78: {  	[sflag:s31] =	ssyncset.done $0x0  }
0x79: {  	[sflag:s31] =	ssyncadd.s32 $0xFFFFE700  }
0x7a: {  	[spmem:s24] =	stream.linear.scatter [tilespmem:s30], [sflag:$0x1], $0x1900, $0x38;
	[tilespmem:$0x1E730] =	vst v63  }
0x7b: {  	_ =	swait.ge [sflag:s31], $0x1900  }
0x7c: {  	[sflag:s31] =	ssyncset.done $0x0  }
0x7d: {  	[sflag:s31] =	ssyncadd.s32 $0xFFFFE700  }
0x7e: {  	[spmem:s26] =	stream.linear.scatter [tilespmem:s30], [sflag:$0x1], $0x1900, $0x38;
	[tilespmem:$0x1E730] =	vst v63  }
0x7f: {  	_ =	swait.ge [sflag:s31], $0x1900  }
0x80: {  	[sflag:s31] =	ssyncset.done $0x0  }
0x81: {  	[sflag:s31] =	ssyncadd.s32 $0xFFFFE700  }
0x82: {  	[spmem:s28] =	stream.linear.scatter [tilespmem:s30], [sflag:$0x1], $0x1900, $0x38;
	[tilespmem:$0x1E730] =	vst v63  }
0x83: {  	_ =	swait.ge [sflag:s31], $0x1900  }
0x84: {  	[sflag:s31] =	ssyncset.done $0x0;
	s16 =	rddreg [dreg:$0x5]  }
0x85: {  	[sflag:s31] =	ssyncadd.s32 $0xFFFFE700;
	s7 =	sadd.s32 s16, s6  }
0x86: {  	[spmem:s29] =	stream.linear.scatter [tilespmem:s30], [sflag:$0x1], $0x1900, $0x38;
	[tilespmem:$0x1E730] =	vst v63  }
0x87: {  	s8 =	smul.u32 $0x9C40, s7;
	_ =	swait.ge [sflag:s31], $0x1900  }
0x88: {  	s9 =	rddreg [dreg:$0x7]  }
0x89: {  	[sflag:s31] =	ssyncset.done $0x0;
	s9 =	sadd.s32 s9, s8  }
0x8a: {  	[sflag:s31] =	ssyncadd.s32 $0xFFFFE700;
	s10 =	sshrl.u32 s9, $0x3  }
0x8b: {  	[bflag:$0x0] =	sbarrier.arrive $0xFFFF;
	s9 =	simm.s32 $0x1D100;
	s11 =	sadd.s32 s4, s10  }
0x8c: {  	[tilespmem:s9], [sflag:$0x1] =	stream.linear.gather [hbm4b:s11+s3], $0x9C0, $0x38;
	[tilespmem:$0x1E730] =	vst v63  }
0x8d: {  	_ =	swait.ge [sflag:s31], $0x9C0  }
0x8e: {  	[sflag:s31] =	ssyncset.done $0x0  }
0x8f: {  	s17 =	sadd.s32 s5, s10;
	s10 =	simm.s32 $0x1DAC0;
	[sflag:s31] =	ssyncadd.s32 $0xFFFFF640  }
0x90: {  	[tilespmem:s10], [sflag:$0x1] =	stream.linear.gather [hbm4b:s17+s3], $0x9C0, $0x38;
	[tilespmem:$0x1E730] =	vst v63  }
0x91: {  	s18 =	smul.u32 $0x4E2, s7;
	_ =	swait.ge [sflag:s31], $0x9C0  }
0x92: {  	[sflag:s31] =	ssyncset.done $0x0  }
0x93: {  	s13 =	simm.s32 $0x0;
	v4 =	vmov s18;
	[sflag:s31] =	ssyncadd.s32 $0xFFFFF640  }
.LBB2_7:
0x94: {  	v5 =	vld [tilespmem:s9+$0x0];
	s14 =	simm.s32 $0x1A980  }
0x95: {  	v6 =	vld [tilespmem:s10+$0x0];
	[tilespmem:s14+$0x70] =	vst v0  }
0x96: {  	[tilespmem:s14+$0x60] =	vst v0  }
0x97: {  	[tilespmem:s14+$0x50] =	vst v0  }
0x98: {  	[tilespmem:s14+$0x40] =	vst v0  }
0x99: {  	[tilespmem:s14+$0x30] =	vst v0  }
0x9a: {  	[tilespmem:s14+$0xFFFFFF80] =	vst v0  }
0x9b: {  	[tilespmem:s14+$0xFFFFFF90] =	vst v0  }
0x9c: {  	s11 =	simm.s32 $0x0;
	[tilespmem:s14+$0xFFFFFFA0] =	vst v0  }
0x9d: {  	v7 =	vmov s11;
	[tilespmem:s14+$0xFFFFFFB0] =	vst v0  }
0x9e: {  	[tilespmem:s14+$0xFFFFFFC0] =	vst v0;
	v7 =	vshll.u32 v7, $0x4;
	v5 =	vsub.s32 v5, v4  }
0x9f: {  	[tilespmem:s14+$0xFFFFFFD0] =	vst v0;
	v7 =	vor.u32 v2, v7;
	v8 =	vand.u32 $0xF, v5  }
0xa0: {  	[tilespmem:s14+$0xFFFFFFE0] =	vst v0;
	v7 =	vor.u32 v7, v8  }
0xa1: {  	[tilespmem:s14+$0xFFFFFFF0] =	vst v0;
	v6 =	vsub.s32 v6, v4  }
0xa2: {  	[tilespmem:s14+$0x0] =	vst v0;
	v6 =	vmul.u32 $0x500, v6  }
0xa3: {  	[tilespmem:s14+$0x10] =	vst v0  }
0xa4: {  	[tilespmem:s14+$0x20] =	vst v0;
	v5 =	vadd.s32 v5, v6  }
0xa5: {  	s15 =	simm.s32 $0x1E4A0;
	v5 =	vshrl.u32 v5, $0x4;
	[tilespmem:v7+s0+$0x0] =	vst.idx.msk $0xffff, v3  }
0xa6: {  	s16 =	sadd.s32 $0x10, s10;
	s17 =	sadd.s32 $0x10, s9;
	s11 =	simm.s32 $0x10;
	[tilespmem:s15+$0x0] =	vst v5  }
.LBB2_8:
0xa7: {  	v5 =	vld [tilespmem:s17+$0x0];
	p1 =	sne.s32 s11, $0x260;
	s15 =	sadd.s32 $0x10, s15;
	s14 =	sadd.s32 $0x100, s14  }
0xa8: {  	s18 =	smov.u32 s11;
	s11 =	sadd.s32 $0x10, s11;
	v6 =	vld [tilespmem:s16+$0x0]  }
0xa9: {  	[tilespmem:s14+$0x70] =	vst v0  }
0xaa: {  	[tilespmem:s14+$0x60] =	vst v0  }
0xab: {  	v7 =	vmov s18;
	[tilespmem:s14+$0x50] =	vst v0  }
0xac: {  	v7 =	vshll.u32 v7, $0x4;
	v5 =	vsub.s32 v5, v4;
	[tilespmem:s14+$0x40] =	vst v0  }
0xad: {  	v7 =	vor.u32 v2, v7;
	v6 =	vsub.s32 v6, v4;
	[tilespmem:s14+$0x30] =	vst v0;
	v8 =	vand.u32 $0xF, v5  }
0xae: {  	v6 =	vmul.u32 $0x500, v6;
	[tilespmem:s14+$0xFFFFFF80] =	vst v0;
	v7 =	vor.u32 v7, v8  }
0xaf: {  	[tilespmem:s14+$0xFFFFFF90] =	vst v0  }
0xb0: {  	v5 =	vadd.s32 v5, v6;
	[tilespmem:s14+$0xFFFFFFA0] =	vst v0  }
0xb1: {  	[tilespmem:s14+$0xFFFFFFB0] =	vst v0  }
0xb2: {  	[tilespmem:s14+$0xFFFFFFC0] =	vst v0  }
0xb3: {  	v5 =	vshrl.u32 v5, $0x4;
	[tilespmem:s14+$0xFFFFFFD0] =	vst v0  }
0xb4: {  	[tilespmem:s14+$0xFFFFFFE0] =	vst v0  }
0xb5: {  	[tilespmem:s14+$0xFFFFFFF0] =	vst v0  }
.Ltmp2:
0xb6: {  	[tilespmem:s14+$0x0] =	vst v0;
	(pc) =	sbr.rel @p1 .LBB2_8-.Ltmp2, $4  }
0xb7: {  	[tilespmem:s14+$0x10] =	vst v0  }
0xb8: {  	[tilespmem:s14+$0x20] =	vst v0  }
0xb9: {  	[tilespmem:v7+s0+$0x0] =	vst.idx.msk $0xffff, v3  }
0xba: {  	s17 =	sadd.s32 $0x10, s17;
	s16 =	sadd.s32 $0x10, s16;
	[tilespmem:s15+$0x0] =	vst v5  }
0xbb: {  	s13 =	sadd.s32 $0x1, s13  }
0xbc: {  	p1 =	sne.s32 s13, $0x4  }
.Ltmp3:
0xbd: {  	_ = 	snop;
	(pc) =	sbr.rel @p1 .LBB2_7-.Ltmp3, $4  }
0xbe: {  	[spmem:s1] =	stream.indirect.scatter.add.f32 [tilespmem:s0], [sflag:$0x1], $0x10, s2, s12, $0xb8;
	[tilespmem:$0x1E730] =	vst v63  }
0xbf: {  	_ =	swait.ge [sflag:s31], $0x2800  }
0xc0: {  	[sflag:s31] =	ssyncset.done $0x0  }
0xc1: {  	s10 =	sadd.s32 $0x270, s10;
	s9 =	sadd.s32 $0x270, s9;
	[sflag:s31] =	ssyncadd.s32 $0xFFFFD800  }
0xc2: {  	s9 =	rddreg [dreg:$0x8]  }
0xc3: {  	s8 =	sadd.s32 @!p0 s9, s8  }
0xc4: {  	s8 =	sshrl.u32 @!p0 s8, $0x3  }
0xc5: {  	s10 =	simm.s32 @!p0 $0x0;
	s11 =	simm.s32 @!p0 $0x1E480;
	s9 =	sadd.s32 @!p0 s4, s8  }
0xc6: {  	[tilespmem:s11], [sflag:$0x1] =	stream.linear.gather @!p0 [hbm4b:s9+s10], $0x10, $0x38;
	[tilespmem:$0x1E730] =	vst v63  }
0xc7: {  	s9 =	simm.s32 @!p0 $0x1  }
0xc8: {  	_ =	swait.ge @!p0 [sflag:s9], $0x10  }
0xc9: {  	[sflag:s9] =	ssyncset.done @!p0 $0x0  }
0xca: {  	s8 =	sadd.s32 @!p0 s5, s8;
	s11 =	simm.s32 @!p0 $0x1E490;
	[sflag:s9] =	ssyncadd.s32 @!p0 $0xFFFFFFF0  }
0xcb: {  	[tilespmem:s11], [sflag:$0x1] =	stream.linear.gather @!p0 [hbm4b:s8+s10], $0x10, $0x38;
	[tilespmem:$0x1E730] =	vst v63  }
0xcc: {  	_ =	swait.ge @!p0 [sflag:s9], $0x10  }
0xcd: {  	[sflag:s9] =	ssyncset.done @!p0 $0x0  }
0xce: {  	v5 =	vimm.f32 @!p0 $0.0e+00;
	[sflag:s9] =	ssyncadd.s32 @!p0 $0xFFFFFFF0  }
0xcf: {  	[tilespmem:$0x1A900] =	vst @!p0 v5  }
0xd0: {  	[tilespmem:$0x1A910] =	vst @!p0 v5  }
0xd1: {  	[tilespmem:$0x1A920] =	vst @!p0 v5  }
0xd2: {  	[tilespmem:$0x1A930] =	vst @!p0 v5  }
0xd3: {  	v6 =	vld @!p0 [tilespmem:$0x1E480];
	[tilespmem:$0x1A940] =	vst @!p0 v5  }
0xd4: {  	[tilespmem:$0x1A950] =	vst @!p0 v5  }
0xd5: {  	[tilespmem:$0x1A960] =	vst @!p0 v5  }
0xd6: {  	v7 =	vld @!p0 [tilespmem:$0x1E490];
	[tilespmem:$0x1A970] =	vst @!p0 v5  }
0xd7: {  	v8 =	vlaneseq.u32 @!p0;
	[tilespmem:$0x1A980] =	vst @!p0 v5  }
0xd8: {  	v8 =	vmul.u32 @!p0 $0x10, v8;
	[tilespmem:$0x1A990] =	vst @!p0 v5;
	v6 =	vsub.s32 @!p0 v6, v4  }
0xd9: {  	[tilespmem:$0x1A9A0] =	vst @!p0 v5;
	v9 =	vand.u32 @!p0 $0xF, v6  }
0xda: {  	[tilespmem:$0x1A9B0] =	vst @!p0 v5;
	v8 =	vor.u32 @!p0 v8, v9  }
0xdb: {  	[tilespmem:$0x1A9C0] =	vst @!p0 v5;
	v4 =	vsub.s32 @!p0 v7, v4  }
0xdc: {  	[tilespmem:$0x1A9D0] =	vst @!p0 v5;
	v4 =	vmul.u32 @!p0 $0x500, v4  }
0xdd: {  	[tilespmem:$0x1A9E0] =	vst @!p0 v5  }
0xde: {  	s8 =	simm.s32 @!p0 $0x1A900;
	[tilespmem:$0x1A9F0] =	vst @!p0 v5;
	v5 =	vimm.f32 @!p0 $1.000000000e+00;
	v4 =	vadd.s32 @!p0 v6, v4  }
0xdf: {  	v4 =	vshrl.u32 @!p0 v4, $0x4;
	[tilespmem:v8+s8+$0x0] =	vst.idx.msk @!p0 $0xffff, v5  }
0xe0: {  	s10 =	simm.s32 @!p0 $0x10;
	s11 =	simm.s32 @!p0 $0x1E720;
	[tilespmem:$0x1E720] =	vst @!p0 v4  }
0xe1: {  	[spmem:s1] =	stream.indirect.scatter.add.f32 @!p0 [tilespmem:s8], [sflag:$0x1], $0x10, s11, s10, $0xb8;
	[tilespmem:$0x1E730] =	vst v63  }
0xe2: {  	_ =	swait.ge @!p0 [sflag:s9], $0x100  }
0xe3: {  	s7 =	smul.u32 $0x190000, s7;
	[sflag:s9] =	ssyncset.done @!p0 $0x0  }
0xe4: {  	s17 =	stileid.u32;
	s16 =	rddreg [dreg:$0x6];
	[sflag:s9] =	ssyncadd.s32 @!p0 $0xFFFFFF00  }
0xe5: {  	s6 =	sadd.s32 $0x1, s6;
	s7 =	sadd.s32 s16, s7;
	[bflag:$0x0] =	sbarrier.arrive $0xFFFF  }
0xe6: {  	s8 =	sshll.u32 s17, $0x6;
	s7 =	sshrl.u32 s7, $0x3;
	s18 =	rddreg [dreg:$0x4]  }
0xe7: {  	p1 =	sne.s32 s6, $0x4;
	s8 =	sor.u32 $0x1C01, s8;
	s7 =	sadd.s32 s18, s7  }
0xe8: {  	[hbm:s7], [sflag:s8] =	dma.local [spmem:s25], $0x3200  }
.Ltmp4:
0xe9: {  	_ =	swait.ge [sflag:s31], $0x3200;
	(pc) =	sbr.rel @p1 .LBB2_6-.Ltmp4, $3  }
0xea: {  	[sflag:s31] =	ssyncset.done $0x0  }
0xeb: {  	[sflag:s31] =	ssyncadd.s32 $0xFFFFCE00  }
0xec: {  	[bflag:$0x0] =	sbarrier.arrive $0xFFFF;
	_ =	sdelay $0x1  }
0xed: {  	s8 =	rddreg [dreg:$0x3]  }
0xee: {  	s3 =	rddreg [dreg:$0x9];
	s8 =	sadd.s32 $0x1, s8  }
0xef: {  	p1 =	sne.s32 s8, s3  }
.Ltmp5:
0xf0: {  	_ = 	snop;
	(pc) =	sbr.rel @p1 .LBB2_1-.Ltmp5, $1  }
0xf1: {  	_ =	sdelay $0x3  }
0xf2: {  	_ =	sfence.sel $0x180000  }
0xf3: {  	[bflag:$0x0] =	sbarrier.arrive $0xFFFF  }
0xf4: {  	_ =	strace $0x90000047  }
0xf5: {  	s0 =	stileid.u32;
	[bflag:$0x2] =	sbarrier.arrive $0xFFFF  }
0xf6: {  	p0 =	sne.s32 s0, $0x0;
	s0 =	rddreg [dreg:$0x2]  }
0xf7: {  	s0 =	sadd.s32 @!p0 $0x100000, s0  }
0xf8: {  	[sflag:s0] =	ssyncadd.tile.s32 @!p0 $0x1;
	_ =	shalt  }
.Lfunc_end2:
_tile_overlayer_lowered:
.L_overlay_start_2:
0xf9: {  	(tag) =	ssettag $0x2  }
0xfa: {  	s0 =	rddreg [dreg:$0x0];
	s2 =	stileid.u32  }
0xfb: {  	s1 =	rddreg [dreg:$0x1];
	p0 =	sne.s32 s2, $0x0  }
0xfc: {  	s3 =	rddreg [dreg:$0x2];
	[bflag:$0x3] =	sbarrier.arrive $0xFFFF;
	s2 =	simm.s32 @!p0 $0x1C01  }
0xfd: {  	[timem:s3], [sflag:s2] =	dma.local @!p0 [hbm:s0], s1  }
0xfe: {  	s0 =	simm.s32 @!p0 $0x1  }
0xff: {  	_ =	swait.ge @!p0 [sflag:s0], s1  }
0x100: {  	s1 =	ssub.s32 @!p0 $0x0, s1;
	[sflag:s0] =	ssyncset.done @!p0 $0x0  }
0x101: {  	[sflag:s0] =	ssyncadd.s32 @!p0 s1  }
0x102: {  	[bflag:$0x3] =	sbarrier.arrive $0xFFFF  }
0x103: {  	_ =	shalt  }

</sc_bundles>
